<compile_context>
chip_gen: v7x
topology: tpu7x:2x2x1
jax: 0.10.2.dev20260603
libtpu: 0.0.44.dev20260713+nightly
codegen_flags: <defaults>
</compile_context>

<pallas_src>
import functools

import jax
import jax.numpy as jnp
from jax import lax
from jax.experimental import pallas as pl
from jax.experimental.pallas import tpu as pltpu
from jax.experimental.pallas import tpu_sc as plsc

NUM_LEVELS = 16
F_PER_LEVEL = 2
LOG2_HASHMAP = 19
TABLE_SIZE = 2 ** LOG2_HASHMAP
BATCH = 262144
HIDDEN = 64
MLP_IN = NUM_LEVELS * F_PER_LEVEL

_RES = [int(16 * (2048 / 16) ** (l / (NUM_LEVELS - 1))) for l in range(NUM_LEVELS)]
_M1 = 2654435761 - (1 << 32)
_M2 = 805459861

_NW = 32
_NSLICE = 2


def _hash_body(pos_ref, res_ref, idx_ref):
    p = pos_ref[...]
    res = res_ref[...]
    r = lax.broadcasted_iota(jnp.int32, (32, 1), 0)
    lvl = r >> 1
    feat = r & 1
    c0 = (p[0:1, :] * res).astype(jnp.int32)
    c1 = (p[1:2, :] * res).astype(jnp.int32)
    c2 = (p[2:3, :] * res).astype(jnp.int32)
    h = c0 ^ (c1 * jnp.int32(_M1)) ^ (c2 * jnp.int32(_M2))
    e = h & jnp.int32(TABLE_SIZE - 1)
    idx_ref[...] = (
        (lvl << 20)
        + ((e >> 7) << 8)
        + (feat << 7)
        + (e & jnp.int32(127))
    )


def _compute_indices(pos_t, n):
    blk = 8192
    grid = n // blk
    res = jnp.repeat(jnp.array(_RES, dtype=jnp.float32), 2).reshape(32, 1)
    return pl.pallas_call(
        _hash_body,
        grid=(grid,),
        in_specs=[
            pl.BlockSpec((3, blk), lambda i: (i * 0, i)),
            pl.BlockSpec((32, 1), lambda i: (i * 0, i * 0)),
        ],
        out_specs=pl.BlockSpec((32, blk), lambda i: (i * 0, i)),
        out_shape=jax.ShapeDtypeStruct((MLP_IN, n), jnp.int32),
    )(pos_t, res)


def _gather_sc(table_1d, idx_flat, total):
    per_w = total // _NW
    ch = 8192
    n_it = per_w // ch
    mesh = plsc.VectorSubcoreMesh(core_axis_name="c", subcore_axis_name="s")

    nbuf = min(4, n_it)

    @functools.partial(
        pl.kernel,
        out_type=jax.ShapeDtypeStruct((total,), jnp.float32),
        mesh=mesh,
        compiler_params=pltpu.CompilerParams(use_tc_tiling_on_sc=False),
        scratch_types=[pltpu.VMEM((ch,), jnp.int32) for _ in range(nbuf)]
        + [pltpu.VMEM((ch,), jnp.float32) for _ in range(nbuf)]
        + [pltpu.SemaphoreType.DMA for _ in range(2 * nbuf)],
    )
    def k(table_hbm, idx_hbm, out_hbm, *bufs):
        idxb = bufs[:nbuf]
        valb = bufs[nbuf:2 * nbuf]
        gsem = bufs[2 * nbuf:3 * nbuf]
        osem = bufs[3 * nbuf:]
        wid = (lax.axis_index("s") * 2 + lax.axis_index("c")).astype(jnp.int32)
        base = wid * jnp.int32(per_w)

        for j in range(nbuf - 1):
            pltpu.sync_copy(
                idx_hbm.at[pl.ds(base + jnp.int32(j * ch), ch)], idxb[j]
            )
            pltpu.async_copy(table_hbm.at[idxb[j]], valb[j], gsem[j])

        @pl.loop(jnp.int32(0), jnp.int32(n_it), step=nbuf)
        def body(it0):
            for b in range(nbuf):
                it = it0 + jnp.int32(b)
                sn = (b + nbuf - 1) % nbuf
                j = it + jnp.int32(nbuf - 1)

                @pl.when(j < n_it)
                def _():
                    pltpu.sync_copy(
                        idx_hbm.at[pl.ds(base + j * ch, ch)], idxb[sn]
                    )
                    @pl.when(j >= nbuf)
                    def _():
                        pltpu.make_async_copy(
                            valb[sn],
                            out_hbm.at[pl.ds(base + (j - nbuf) * ch, ch)],
                            osem[sn],
                        ).wait()

                    pltpu.async_copy(table_hbm.at[idxb[sn]], valb[sn], gsem[sn])

                pltpu.make_async_copy(
                    table_hbm.at[idxb[b]], valb[b], gsem[b]
                ).wait()
                pltpu.async_copy(
                    valb[b], out_hbm.at[pl.ds(base + it * ch, ch)], osem[b]
                )

        for j in range(nbuf):
            r = n_it - nbuf + j
            pltpu.make_async_copy(
                valb[r % nbuf],
                out_hbm.at[pl.ds(base + jnp.int32(r * ch), ch)],
                osem[r % nbuf],
            ).wait()

    return k(table_1d, idx_flat)


def _mlp_body(x_ref, w1_ref, b1_ref, w2_ref, b2_ref, w3_ref, b3_ref, o_ref):
    x = x_ref[...]
    h = jnp.dot(w1_ref[...], x, preferred_element_type=jnp.float32) + b1_ref[...]
    h = jnp.maximum(h, 0.0)
    h = jnp.dot(w2_ref[...], h, preferred_element_type=jnp.float32) + b2_ref[...]
    h = jnp.maximum(h, 0.0)
    o = jnp.dot(w3_ref[...], h, preferred_element_type=jnp.float32) + b3_ref[...]
    sig = 1.0 / (1.0 + jnp.exp(-o))
    sp = jnp.maximum(o, 0.0) + jnp.log(1.0 + jnp.exp(-jnp.abs(o)))
    row = lax.broadcasted_iota(jnp.int32, o.shape, 0)
    o_ref[...] = jnp.where(row < 3, sig, sp)


def _mlp(feats, W1t, b1, W2t, b2, W3t, b3, n):
    blk = 8192
    grid = n // blk
    full = lambda a: pl.BlockSpec(a.shape, lambda i: tuple(i * 0 for _ in a.shape))
    return pl.pallas_call(
        _mlp_body,
        grid=(grid,),
        in_specs=[
            pl.BlockSpec((MLP_IN, blk), lambda i: (i * 0, i)),
            full(W1t), full(b1), full(W2t), full(b2), full(W3t), full(b3),
        ],
        out_specs=pl.BlockSpec((4, blk), lambda i: (i * 0, i)),
        out_shape=jax.ShapeDtypeStruct((4, n), jnp.float32),
    )(feats, W1t, b1, W2t, b2, W3t, b3)


def kernel(positions, tables, W1, b1, W2, b2, W3, b3):
    f32 = jnp.float32
    positions = positions.astype(f32)
    tables = tables.astype(f32)
    W1, b1, W2, b2, W3, b3 = (a.astype(f32) for a in (W1, b1, W2, b2, W3, b3))

    table_1d = (
        tables.reshape(NUM_LEVELS, TABLE_SIZE // 128, 128, F_PER_LEVEL)
        .transpose(0, 1, 3, 2)
        .reshape(-1)
    )
    pos_t = positions.T
    w_args = (W1.T, b1.reshape(HIDDEN, 1), W2.T, b2.reshape(HIDDEN, 1),
              W3.T, b3.reshape(4, 1))
    ns = _NSLICE
    bs = BATCH // ns
    ys = []
    for s in range(ns):
        sl = slice(s * bs, (s + 1) * bs)
        idx_s = _compute_indices(pos_t[:, sl], bs)
        idx_flat = (
            idx_s.reshape(4, 8, bs // 128, 128).transpose(0, 2, 1, 3).reshape(-1)
        )
        out_flat = _gather_sc(table_1d, idx_flat, MLP_IN * bs)
        feats_s = (
            out_flat.reshape(4, bs // 128, 8, 128)
            .transpose(0, 2, 1, 3)
            .reshape(MLP_IN, bs)
        )
        ys.append(_mlp(feats_s, *w_args, bs))
    y = jnp.concatenate(ys, axis=1) if ns > 1 else ys[0]
    yt = y.T.astype(jnp.float64)
    return yt[:, :3], yt[:, 3:4]

# --- scband reference (transcript-rebuilt; emitter-appended) ---
"""Pipeline reference for scband-instant-ngp-76132590289312 (READ-ONLY COPY).

The authoritative reference and input builder live on the scoring server;
editing this copy changes nothing except your own understanding.
"""

import jax, jax.numpy as jnp
import numpy as np
jax.config.update('jax_enable_x64', True)

NUM_LEVELS = 16
F_PER_LEVEL = 2
LOG2_HASHMAP = 19
TABLE_SIZE = 2 ** LOG2_HASHMAP
HIDDEN = 64
BATCH = 262144
MLP_IN = NUM_LEVELS * F_PER_LEVEL


def setup_inputs(seed: int = 0) -> dict:
    key = jax.random.key(seed)
    ks = jax.random.split(key, 8)
    positions = jax.random.uniform(ks[0], (BATCH, 3), dtype=jnp.float32)
    # All 16 hash tables have size 2^19 (base_resolution=128 so res^3 > 2^19 at every level)
    tables = jax.random.uniform(ks[1], (NUM_LEVELS, TABLE_SIZE, F_PER_LEVEL), dtype=jnp.float32, minval=-1e-4, maxval=1e-4)
    W1 = jax.random.normal(ks[2], (MLP_IN, HIDDEN), dtype=jnp.float32) * (1.0 / np.sqrt(MLP_IN))
    b1 = jnp.zeros((HIDDEN,), dtype=jnp.float32)
    W2 = jax.random.normal(ks[3], (HIDDEN, HIDDEN), dtype=jnp.float32) * (1.0 / np.sqrt(HIDDEN))
    b2 = jnp.zeros((HIDDEN,), dtype=jnp.float32)
    W3 = jax.random.normal(ks[4], (HIDDEN, 4), dtype=jnp.float32) * (1.0 / np.sqrt(HIDDEN))
    b3 = jnp.zeros((4,), dtype=jnp.float32)
    return {"positions": positions, "tables": tables, "W1": W1, "b1": b1, "W2": W2, "b2": b2, "W3": W3, "b3": b3}


def _hash(positions, resolution):
    coords = (positions * resolution).astype(jnp.int64)
    h = (coords[..., 0] * jnp.int64(1)) ^ (coords[..., 1] * jnp.int64(2654435761)) ^ (coords[..., 2] * jnp.int64(805459861))
    return h % (2 ** LOG2_HASHMAP)


def reference(positions, tables, W1, b1, W2, b2, W3, b3):
    feats = []
    for level in range(NUM_LEVELS):
        resolution = int(16 * (2048 / 16) ** (level / (NUM_LEVELS - 1)))
        idx = _hash(positions, resolution)
        feats.append(jnp.take(tables[level], idx, axis=0))
    x = jnp.concatenate(feats, axis=-1)
    x = jax.nn.relu(x @ W1 + b1)
    x = jax.nn.relu(x @ W2 + b2)
    out = x @ W3 + b3
    rgb = jax.nn.sigmoid(out[..., :3])
    density = jax.nn.softplus(out[..., 3:4])
    return rgb, density

if __name__ == "__main__":
    import jax
    _d = setup_inputs()
    print(jax.jit(kernel)(*tuple(_d.values())))

</pallas_src>

<mosaic_0001>
#map = affine_map<(d0, d1) -> (0)>
module attributes {stable_mosaic.version = 14 : i64} {
  func.func @k(%arg0: i32, %arg1: i32, %arg2: memref<16777216xf32, #tpu.memory_space<hbm>>, %arg3: memref<4194304xi32, #tpu.memory_space<hbm>>, %arg4: memref<4194304xf32, #tpu.memory_space<hbm>>, %arg5: memref<8192xi32, #tpu.memory_space<vmem>>, %arg6: memref<8192xi32, #tpu.memory_space<vmem>>, %arg7: memref<8192xi32, #tpu.memory_space<vmem>>, %arg8: memref<8192xi32, #tpu.memory_space<vmem>>, %arg9: memref<8192xf32, #tpu.memory_space<vmem>>, %arg10: memref<8192xf32, #tpu.memory_space<vmem>>, %arg11: memref<8192xf32, #tpu.memory_space<vmem>>, %arg12: memref<8192xf32, #tpu.memory_space<vmem>>, %arg13: memref<!tpu.dma_semaphore, #tpu.memory_space<semaphore_mem>>, %arg14: memref<!tpu.dma_semaphore, #tpu.memory_space<semaphore_mem>>, %arg15: memref<!tpu.dma_semaphore, #tpu.memory_space<semaphore_mem>>, %arg16: memref<!tpu.dma_semaphore, #tpu.memory_space<semaphore_mem>>, %arg17: memref<!tpu.dma_semaphore, #tpu.memory_space<semaphore_mem>>, %arg18: memref<!tpu.dma_semaphore, #tpu.memory_space<semaphore_mem>>, %arg19: memref<!tpu.dma_semaphore, #tpu.memory_space<semaphore_mem>>, %arg20: memref<!tpu.dma_semaphore, #tpu.memory_space<semaphore_mem>>) attributes {dimension_semantics = [#tpu.dimension_semantics<core_parallel>, #tpu.dimension_semantics<subcore_parallel>], iteration_bounds = array<i64: 2, 16>, scalar_prefetch = 0 : i64, scratch_operands = 16 : i64, tpu.core_type = #tpu.core_type<sc_vector_subcore>, window_params = [{transform_indices = #map}, {transform_indices = #map}, {transform_indices = #map}]} {
    %mul3A = arith.constant 2 : i32
    %mul3A_0 = arith.muli %arg1, %mul3A : i32
    %add3A = arith.addi %mul3A_0, %arg0 : i32
    %mul3A_1 = arith.constant 131072 : i32
    %mul3A_2 = arith.muli %add3A, %mul3A_1 : i32
    %add3A_3 = arith.constant 0 : i32
    %add3A_4 = arith.addi %mul3A_2, %add3A_3 : i32
    "tpu.region"() ({
      %run_scoped3A = tpu.sem_alloc : memref<!tpu.dma_semaphore, #tpu.memory_space<semaphore_mem>>
      %dma_start3A_46 = tpu.memref_slice %arg3[%add3A_4] : memref<4194304xi32, #tpu.memory_space<hbm>> -> memref<8192xi32, #tpu.memory_space<hbm>>
      %dma_start3A_47 = tpu.memref_slice %arg3[%add3A_4] : memref<4194304xi32, #tpu.memory_space<hbm>> -> memref<8192xi32, #tpu.memory_space<hbm>>
      tpu.enqueue_dma source(%dma_start3A_47 : memref<8192xi32, #tpu.memory_space<hbm>>) target(%arg5 : memref<8192xi32, #tpu.memory_space<vmem>>) target_semaphore(%run_scoped3A : memref<!tpu.dma_semaphore, #tpu.memory_space<semaphore_mem>>)
      %dma_wait3A_48 = tpu.memref_slice %arg3[%add3A_4] : memref<4194304xi32, #tpu.memory_space<hbm>> -> memref<8192xi32, #tpu.memory_space<hbm>>
      %dma_wait3A_49 = tpu.memref_slice %arg3[%add3A_4] : memref<4194304xi32, #tpu.memory_space<hbm>> -> memref<8192xi32, #tpu.memory_space<hbm>>
      tpu.wait_dma2 semaphore(%run_scoped3A : memref<!tpu.dma_semaphore, #tpu.memory_space<semaphore_mem>>) src(%dma_wait3A_49 : memref<8192xi32, #tpu.memory_space<hbm>>) dst(%arg5 : memref<8192xi32, #tpu.memory_space<vmem>>)
      tpu.yield
    }) : () -> ()
    %dma_start3A = arith.constant 0 : i32
    %dma_start3A_5 = tpu.memref_slice %arg2[%dma_start3A] : memref<16777216xf32, #tpu.memory_space<hbm>> -> memref<16777216xf32, #tpu.memory_space<hbm>>
    tpu.enqueue_indirect_dma source(%dma_start3A_5 : memref<16777216xf32, #tpu.memory_space<hbm>>) target(%arg9 : memref<8192xf32, #tpu.memory_space<vmem>>) offsets(%arg5 : memref<8192xi32, #tpu.memory_space<vmem>>) semaphore(%arg13 : memref<!tpu.dma_semaphore, #tpu.memory_space<semaphore_mem>>)
    %add3A_6 = arith.constant 8192 : i32
    %add3A_7 = arith.addi %mul3A_2, %add3A_6 : i32
    "tpu.region"() ({
      %run_scoped3A = tpu.sem_alloc : memref<!tpu.dma_semaphore, #tpu.memory_space<semaphore_mem>>
      %dma_start3A_46 = tpu.memref_slice %arg3[%add3A_7] : memref<4194304xi32, #tpu.memory_space<hbm>> -> memref<8192xi32, #tpu.memory_space<hbm>>
      %dma_start3A_47 = tpu.memref_slice %arg3[%add3A_7] : memref<4194304xi32, #tpu.memory_space<hbm>> -> memref<8192xi32, #tpu.memory_space<hbm>>
      tpu.enqueue_dma source(%dma_start3A_47 : memref<8192xi32, #tpu.memory_space<hbm>>) target(%arg6 : memref<8192xi32, #tpu.memory_space<vmem>>) target_semaphore(%run_scoped3A : memref<!tpu.dma_semaphore, #tpu.memory_space<semaphore_mem>>)
      %dma_wait3A_48 = tpu.memref_slice %arg3[%add3A_7] : memref<4194304xi32, #tpu.memory_space<hbm>> -> memref<8192xi32, #tpu.memory_space<hbm>>
      %dma_wait3A_49 = tpu.memref_slice %arg3[%add3A_7] : memref<4194304xi32, #tpu.memory_space<hbm>> -> memref<8192xi32, #tpu.memory_space<hbm>>
      tpu.wait_dma2 semaphore(%run_scoped3A : memref<!tpu.dma_semaphore, #tpu.memory_space<semaphore_mem>>) src(%dma_wait3A_49 : memref<8192xi32, #tpu.memory_space<hbm>>) dst(%arg6 : memref<8192xi32, #tpu.memory_space<vmem>>)
      tpu.yield
    }) : () -> ()
    %dma_start3A_8 = arith.constant 0 : i32
    %dma_start3A_9 = tpu.memref_slice %arg2[%dma_start3A_8] : memref<16777216xf32, #tpu.memory_space<hbm>> -> memref<16777216xf32, #tpu.memory_space<hbm>>
    tpu.enqueue_indirect_dma source(%dma_start3A_9 : memref<16777216xf32, #tpu.memory_space<hbm>>) target(%arg10 : memref<8192xf32, #tpu.memory_space<vmem>>) offsets(%arg6 : memref<8192xi32, #tpu.memory_space<vmem>>) semaphore(%arg14 : memref<!tpu.dma_semaphore, #tpu.memory_space<semaphore_mem>>)
    %add3A_10 = arith.constant 16384 : i32
    %add3A_11 = arith.addi %mul3A_2, %add3A_10 : i32
    "tpu.region"() ({
      %run_scoped3A = tpu.sem_alloc : memref<!tpu.dma_semaphore, #tpu.memory_space<semaphore_mem>>
      %dma_start3A_46 = tpu.memref_slice %arg3[%add3A_11] : memref<4194304xi32, #tpu.memory_space<hbm>> -> memref<8192xi32, #tpu.memory_space<hbm>>
      %dma_start3A_47 = tpu.memref_slice %arg3[%add3A_11] : memref<4194304xi32, #tpu.memory_space<hbm>> -> memref<8192xi32, #tpu.memory_space<hbm>>
      tpu.enqueue_dma source(%dma_start3A_47 : memref<8192xi32, #tpu.memory_space<hbm>>) target(%arg7 : memref<8192xi32, #tpu.memory_space<vmem>>) target_semaphore(%run_scoped3A : memref<!tpu.dma_semaphore, #tpu.memory_space<semaphore_mem>>)
      %dma_wait3A_48 = tpu.memref_slice %arg3[%add3A_11] : memref<4194304xi32, #tpu.memory_space<hbm>> -> memref<8192xi32, #tpu.memory_space<hbm>>
      %dma_wait3A_49 = tpu.memref_slice %arg3[%add3A_11] : memref<4194304xi32, #tpu.memory_space<hbm>> -> memref<8192xi32, #tpu.memory_space<hbm>>
      tpu.wait_dma2 semaphore(%run_scoped3A : memref<!tpu.dma_semaphore, #tpu.memory_space<semaphore_mem>>) src(%dma_wait3A_49 : memref<8192xi32, #tpu.memory_space<hbm>>) dst(%arg7 : memref<8192xi32, #tpu.memory_space<vmem>>)
      tpu.yield
    }) : () -> ()
    %dma_start3A_12 = arith.constant 0 : i32
    %dma_start3A_13 = tpu.memref_slice %arg2[%dma_start3A_12] : memref<16777216xf32, #tpu.memory_space<hbm>> -> memref<16777216xf32, #tpu.memory_space<hbm>>
    tpu.enqueue_indirect_dma source(%dma_start3A_13 : memref<16777216xf32, #tpu.memory_space<hbm>>) target(%arg11 : memref<8192xf32, #tpu.memory_space<vmem>>) offsets(%arg7 : memref<8192xi32, #tpu.memory_space<vmem>>) semaphore(%arg15 : memref<!tpu.dma_semaphore, #tpu.memory_space<semaphore_mem>>)
    %sub3A = arith.constant 16 : i32
    %sub3A_14 = arith.constant 0 : i32
    %sub3A_15 = arith.subi %sub3A, %sub3A_14 : i32
    %sub3A_16 = arith.constant 4 : i32
    %sub3A_17 = arith.constant 1 : i32
    %sub3A_18 = arith.subi %sub3A_16, %sub3A_17 : i32
    %add3A_19 = arith.addi %sub3A_15, %sub3A_18 : i32
    %div3A = arith.constant 4 : i32
    %div3A_20 = arith.divsi %add3A_19, %div3A : i32
    %while3A = arith.constant 4 : i32
    %while3A_21 = arith.constant 0 : i32
    %while3A_22 = arith.constant 0 : i32
    %while3A_23 = arith.subi %div3A_20, %while3A_22 : i32
    %while3A_24 = arith.addi %while3A_22, %while3A_23 : i32
    %while3A_25 = arith.constant 1 : i32
    %while3A_26 = arith.divsi %while3A_23, %while3A_25 : i32
    %while3A_27 = arith.muli %while3A_26, %while3A_25 : i32
    %while3A_28 = arith.addi %while3A_22, %while3A_27 : i32
    %while3A_29 = arith.constant 1 : i32
    scf.for %while3A_46 = %while3A_22 to %while3A_28 step %while3A_29  : i32 {
      %mul3A_47 = arith.muli %while3A_46, %while3A : i32
      %add3A_48 = arith.addi %while3A_21, %mul3A_47 : i32
      %add3A_49 = arith.constant 0 : i32
      %add3A_50 = arith.addi %add3A_48, %add3A_49 : i32
      %add3A_51 = arith.constant 3 : i32
      %add3A_52 = arith.addi %add3A_50, %add3A_51 : i32
      %lt3A = arith.constant 16 : i32
      %lt3A_53 = arith.cmpi slt, %add3A_52, %lt3A : i32
      %convert_element_type3A = arith.extui %lt3A_53 : i1 to i32
      %cond3A = arith.constant 0 : i32
      %cond3A_54 = arith.cmpi ne, %convert_element_type3A, %cond3A : i32
      scf.if %cond3A_54 {
        %mul3A_110 = arith.constant 8192 : i32
        %mul3A_111 = arith.muli %add3A_52, %mul3A_110 : i32
        %add3A_112 = arith.addi %mul3A_2, %mul3A_111 : i32
        "tpu.region"() ({
          %run_scoped3A = tpu.sem_alloc : memref<!tpu.dma_semaphore, #tpu.memory_space<semaphore_mem>>
          %dma_start3A_119 = tpu.memref_slice %arg3[%add3A_112] : memref<4194304xi32, #tpu.memory_space<hbm>> -> memref<8192xi32, #tpu.memory_space<hbm>>
          %dma_start3A_120 = tpu.memref_slice %arg3[%add3A_112] : memref<4194304xi32, #tpu.memory_space<hbm>> -> memref<8192xi32, #tpu.memory_space<hbm>>
          tpu.enqueue_dma source(%dma_start3A_120 : memref<8192xi32, #tpu.memory_space<hbm>>) target(%arg8 : memref<8192xi32, #tpu.memory_space<vmem>>) target_semaphore(%run_scoped3A : memref<!tpu.dma_semaphore, #tpu.memory_space<semaphore_mem>>)
          %dma_wait3A_121 = tpu.memref_slice %arg3[%add3A_112] : memref<4194304xi32, #tpu.memory_space<hbm>> -> memref<8192xi32, #tpu.memory_space<hbm>>
          %dma_wait3A_122 = tpu.memref_slice %arg3[%add3A_112] : memref<4194304xi32, #tpu.memory_space<hbm>> -> memref<8192xi32, #tpu.memory_space<hbm>>
          tpu.wait_dma2 semaphore(%run_scoped3A : memref<!tpu.dma_semaphore, #tpu.memory_space<semaphore_mem>>) src(%dma_wait3A_122 : memref<8192xi32, #tpu.memory_space<hbm>>) dst(%arg8 : memref<8192xi32, #tpu.memory_space<vmem>>)
          tpu.yield
        }) : () -> ()
        %ge3A = arith.constant 4 : i32
        %ge3A_113 = arith.cmpi sge, %add3A_52, %ge3A : i32
        %convert_element_type3A_114 = arith.extui %ge3A_113 : i1 to i32
        %cond3A_115 = arith.constant 0 : i32
        %cond3A_116 = arith.cmpi ne, %convert_element_type3A_114, %cond3A_115 : i32
        scf.if %cond3A_116 {
          %sub3A_119 = arith.constant 4 : i32
          %sub3A_120 = arith.subi %add3A_52, %sub3A_119 : i32
          %mul3A_121 = arith.constant 8192 : i32
          %mul3A_122 = arith.muli %sub3A_120, %mul3A_121 : i32
          %add3A_123 = arith.addi %mul3A_2, %mul3A_122 : i32
          %dma_wait3A_124 = tpu.memref_slice %arg4[%add3A_123] : memref<4194304xf32, #tpu.memory_space<hbm>> -> memref<8192xf32, #tpu.memory_space<hbm>>
          %dma_wait3A_125 = tpu.memref_slice %arg4[%add3A_123] : memref<4194304xf32, #tpu.memory_space<hbm>> -> memref<8192xf32, #tpu.memory_space<hbm>>
          tpu.wait_dma2 semaphore(%arg20 : memref<!tpu.dma_semaphore, #tpu.memory_space<semaphore_mem>>) src(%arg12 : memref<8192xf32, #tpu.memory_space<vmem>>) dst(%dma_wait3A_125 : memref<8192xf32, #tpu.memory_space<hbm>>)
        } else {
        }
        %dma_start3A_117 = arith.constant 0 : i32
        %dma_start3A_118 = tpu.memref_slice %arg2[%dma_start3A_117] : memref<16777216xf32, #tpu.memory_space<hbm>> -> memref<16777216xf32, #tpu.memory_space<hbm>>
        tpu.enqueue_indirect_dma source(%dma_start3A_118 : memref<16777216xf32, #tpu.memory_space<hbm>>) target(%arg12 : memref<8192xf32, #tpu.memory_space<vmem>>) offsets(%arg8 : memref<8192xi32, #tpu.memory_space<vmem>>) semaphore(%arg16 : memref<!tpu.dma_semaphore, #tpu.memory_space<semaphore_mem>>)
      } else {
      }
      %dma_wait3A_55 = arith.constant 0 : i32
      %dma_wait3A_56 = tpu.memref_slice %arg2[%dma_wait3A_55] : memref<16777216xf32, #tpu.memory_space<hbm>> -> memref<16777216xf32, #tpu.memory_space<hbm>>
      tpu.wait_indirect_dma semaphore(%arg13 : memref<!tpu.dma_semaphore, #tpu.memory_space<semaphore_mem>>) src(%dma_wait3A_56 : memref<16777216xf32, #tpu.memory_space<hbm>>) dst(%arg9 : memref<8192xf32, #tpu.memory_space<vmem>>)
      %mul3A_57 = arith.constant 8192 : i32
      %mul3A_58 = arith.muli %add3A_50, %mul3A_57 : i32
      %add3A_59 = arith.addi %mul3A_2, %mul3A_58 : i32
      %dma_start3A_60 = tpu.memref_slice %arg4[%add3A_59] : memref<4194304xf32, #tpu.memory_space<hbm>> -> memref<8192xf32, #tpu.memory_space<hbm>>
      %dma_start3A_61 = tpu.memref_slice %arg4[%add3A_59] : memref<4194304xf32, #tpu.memory_space<hbm>> -> memref<8192xf32, #tpu.memory_space<hbm>>
      tpu.enqueue_dma source(%arg9 : memref<8192xf32, #tpu.memory_space<vmem>>) target(%dma_start3A_61 : memref<8192xf32, #tpu.memory_space<hbm>>) target_semaphore(%arg17 : memref<!tpu.dma_semaphore, #tpu.memory_space<semaphore_mem>>)
      %add3A_62 = arith.constant 1 : i32
      %add3A_63 = arith.addi %add3A_48, %add3A_62 : i32
      %add3A_64 = arith.constant 3 : i32
      %add3A_65 = arith.addi %add3A_63, %add3A_64 : i32
      %lt3A_66 = arith.constant 16 : i32
      %lt3A_67 = arith.cmpi slt, %add3A_65, %lt3A_66 : i32
      %convert_element_type3A_68 = arith.extui %lt3A_67 : i1 to i32
      %cond3A_69 = arith.constant 0 : i32
      %cond3A_70 = arith.cmpi ne, %convert_element_type3A_68, %cond3A_69 : i32
      scf.if %cond3A_70 {
        %mul3A_110 = arith.constant 8192 : i32
        %mul3A_111 = arith.muli %add3A_65, %mul3A_110 : i32
        %add3A_112 = arith.addi %mul3A_2, %mul3A_111 : i32
        "tpu.region"() ({
          %run_scoped3A = tpu.sem_alloc : memref<!tpu.dma_semaphore, #tpu.memory_space<semaphore_mem>>
          %dma_start3A_119 = tpu.memref_slice %arg3[%add3A_112] : memref<4194304xi32, #tpu.memory_space<hbm>> -> memref<8192xi32, #tpu.memory_space<hbm>>
          %dma_start3A_120 = tpu.memref_slice %arg3[%add3A_112] : memref<4194304xi32, #tpu.memory_space<hbm>> -> memref<8192xi32, #tpu.memory_space<hbm>>
          tpu.enqueue_dma source(%dma_start3A_120 : memref<8192xi32, #tpu.memory_space<hbm>>) target(%arg5 : memref<8192xi32, #tpu.memory_space<vmem>>) target_semaphore(%run_scoped3A : memref<!tpu.dma_semaphore, #tpu.memory_space<semaphore_mem>>)
          %dma_wait3A_121 = tpu.memref_slice %arg3[%add3A_112] : memref<4194304xi32, #tpu.memory_space<hbm>> -> memref<8192xi32, #tpu.memory_space<hbm>>
          %dma_wait3A_122 = tpu.memref_slice %arg3[%add3A_112] : memref<4194304xi32, #tpu.memory_space<hbm>> -> memref<8192xi32, #tpu.memory_space<hbm>>
          tpu.wait_dma2 semaphore(%run_scoped3A : memref<!tpu.dma_semaphore, #tpu.memory_space<semaphore_mem>>) src(%dma_wait3A_122 : memref<8192xi32, #tpu.memory_space<hbm>>) dst(%arg5 : memref<8192xi32, #tpu.memory_space<vmem>>)
          tpu.yield
        }) : () -> ()
        %ge3A = arith.constant 4 : i32
        %ge3A_113 = arith.cmpi sge, %add3A_65, %ge3A : i32
        %convert_element_type3A_114 = arith.extui %ge3A_113 : i1 to i32
        %cond3A_115 = arith.constant 0 : i32
        %cond3A_116 = arith.cmpi ne, %convert_element_type3A_114, %cond3A_115 : i32
        scf.if %cond3A_116 {
          %sub3A_119 = arith.constant 4 : i32
          %sub3A_120 = arith.subi %add3A_65, %sub3A_119 : i32
          %mul3A_121 = arith.constant 8192 : i32
          %mul3A_122 = arith.muli %sub3A_120, %mul3A_121 : i32
          %add3A_123 = arith.addi %mul3A_2, %mul3A_122 : i32
          %dma_wait3A_124 = tpu.memref_slice %arg4[%add3A_123] : memref<4194304xf32, #tpu.memory_space<hbm>> -> memref<8192xf32, #tpu.memory_space<hbm>>
          %dma_wait3A_125 = tpu.memref_slice %arg4[%add3A_123] : memref<4194304xf32, #tpu.memory_space<hbm>> -> memref<8192xf32, #tpu.memory_space<hbm>>
          tpu.wait_dma2 semaphore(%arg17 : memref<!tpu.dma_semaphore, #tpu.memory_space<semaphore_mem>>) src(%arg9 : memref<8192xf32, #tpu.memory_space<vmem>>) dst(%dma_wait3A_125 : memref<8192xf32, #tpu.memory_space<hbm>>)
        } else {
        }
        %dma_start3A_117 = arith.constant 0 : i32
        %dma_start3A_118 = tpu.memref_slice %arg2[%dma_start3A_117] : memref<16777216xf32, #tpu.memory_space<hbm>> -> memref<16777216xf32, #tpu.memory_space<hbm>>
        tpu.enqueue_indirect_dma source(%dma_start3A_118 : memref<16777216xf32, #tpu.memory_space<hbm>>) target(%arg9 : memref<8192xf32, #tpu.memory_space<vmem>>) offsets(%arg5 : memref<8192xi32, #tpu.memory_space<vmem>>) semaphore(%arg13 : memref<!tpu.dma_semaphore, #tpu.memory_space<semaphore_mem>>)
      } else {
      }
      %dma_wait3A_71 = arith.constant 0 : i32
      %dma_wait3A_72 = tpu.memref_slice %arg2[%dma_wait3A_71] : memref<16777216xf32, #tpu.memory_space<hbm>> -> memref<16777216xf32, #tpu.memory_space<hbm>>
      tpu.wait_indirect_dma semaphore(%arg14 : memref<!tpu.dma_semaphore, #tpu.memory_space<semaphore_mem>>) src(%dma_wait3A_72 : memref<16777216xf32, #tpu.memory_space<hbm>>) dst(%arg10 : memref<8192xf32, #tpu.memory_space<vmem>>)
      %mul3A_73 = arith.constant 8192 : i32
      %mul3A_74 = arith.muli %add3A_63, %mul3A_73 : i32
      %add3A_75 = arith.addi %mul3A_2, %mul3A_74 : i32
      %dma_start3A_76 = tpu.memref_slice %arg4[%add3A_75] : memref<4194304xf32, #tpu.memory_space<hbm>> -> memref<8192xf32, #tpu.memory_space<hbm>>
      %dma_start3A_77 = tpu.memref_slice %arg4[%add3A_75] : memref<4194304xf32, #tpu.memory_space<hbm>> -> memref<8192xf32, #tpu.memory_space<hbm>>
      tpu.enqueue_dma source(%arg10 : memref<8192xf32, #tpu.memory_space<vmem>>) target(%dma_start3A_77 : memref<8192xf32, #tpu.memory_space<hbm>>) target_semaphore(%arg18 : memref<!tpu.dma_semaphore, #tpu.memory_space<semaphore_mem>>)
      %add3A_78 = arith.constant 2 : i32
      %add3A_79 = arith.addi %add3A_48, %add3A_78 : i32
      %add3A_80 = arith.constant 3 : i32
      %add3A_81 = arith.addi %add3A_79, %add3A_80 : i32
      %lt3A_82 = arith.constant 16 : i32
      %lt3A_83 = arith.cmpi slt, %add3A_81, %lt3A_82 : i32
      %convert_element_type3A_84 = arith.extui %lt3A_83 : i1 to i32
      %cond3A_85 = arith.constant 0 : i32
      %cond3A_86 = arith.cmpi ne, %convert_element_type3A_84, %cond3A_85 : i32
      scf.if %cond3A_86 {
        %mul3A_110 = arith.constant 8192 : i32
        %mul3A_111 = arith.muli %add3A_81, %mul3A_110 : i32
        %add3A_112 = arith.addi %mul3A_2, %mul3A_111 : i32
        "tpu.region"() ({
          %run_scoped3A = tpu.sem_alloc : memref<!tpu.dma_semaphore, #tpu.memory_space<semaphore_mem>>
          %dma_start3A_119 = tpu.memref_slice %arg3[%add3A_112] : memref<4194304xi32, #tpu.memory_space<hbm>> -> memref<8192xi32, #tpu.memory_space<hbm>>
          %dma_start3A_120 = tpu.memref_slice %arg3[%add3A_112] : memref<4194304xi32, #tpu.memory_space<hbm>> -> memref<8192xi32, #tpu.memory_space<hbm>>
          tpu.enqueue_dma source(%dma_start3A_120 : memref<8192xi32, #tpu.memory_space<hbm>>) target(%arg6 : memref<8192xi32, #tpu.memory_space<vmem>>) target_semaphore(%run_scoped3A : memref<!tpu.dma_semaphore, #tpu.memory_space<semaphore_mem>>)
          %dma_wait3A_121 = tpu.memref_slice %arg3[%add3A_112] : memref<4194304xi32, #tpu.memory_space<hbm>> -> memref<8192xi32, #tpu.memory_space<hbm>>
          %dma_wait3A_122 = tpu.memref_slice %arg3[%add3A_112] : memref<4194304xi32, #tpu.memory_space<hbm>> -> memref<8192xi32, #tpu.memory_space<hbm>>
          tpu.wait_dma2 semaphore(%run_scoped3A : memref<!tpu.dma_semaphore, #tpu.memory_space<semaphore_mem>>) src(%dma_wait3A_122 : memref<8192xi32, #tpu.memory_space<hbm>>) dst(%arg6 : memref<8192xi32, #tpu.memory_space<vmem>>)
          tpu.yield
        }) : () -> ()
        %ge3A = arith.constant 4 : i32
        %ge3A_113 = arith.cmpi sge, %add3A_81, %ge3A : i32
        %convert_element_type3A_114 = arith.extui %ge3A_113 : i1 to i32
        %cond3A_115 = arith.constant 0 : i32
        %cond3A_116 = arith.cmpi ne, %convert_element_type3A_114, %cond3A_115 : i32
        scf.if %cond3A_116 {
          %sub3A_119 = arith.constant 4 : i32
          %sub3A_120 = arith.subi %add3A_81, %sub3A_119 : i32
          %mul3A_121 = arith.constant 8192 : i32
          %mul3A_122 = arith.muli %sub3A_120, %mul3A_121 : i32
          %add3A_123 = arith.addi %mul3A_2, %mul3A_122 : i32
          %dma_wait3A_124 = tpu.memref_slice %arg4[%add3A_123] : memref<4194304xf32, #tpu.memory_space<hbm>> -> memref<8192xf32, #tpu.memory_space<hbm>>
          %dma_wait3A_125 = tpu.memref_slice %arg4[%add3A_123] : memref<4194304xf32, #tpu.memory_space<hbm>> -> memref<8192xf32, #tpu.memory_space<hbm>>
          tpu.wait_dma2 semaphore(%arg18 : memref<!tpu.dma_semaphore, #tpu.memory_space<semaphore_mem>>) src(%arg10 : memref<8192xf32, #tpu.memory_space<vmem>>) dst(%dma_wait3A_125 : memref<8192xf32, #tpu.memory_space<hbm>>)
        } else {
        }
        %dma_start3A_117 = arith.constant 0 : i32
        %dma_start3A_118 = tpu.memref_slice %arg2[%dma_start3A_117] : memref<16777216xf32, #tpu.memory_space<hbm>> -> memref<16777216xf32, #tpu.memory_space<hbm>>
        tpu.enqueue_indirect_dma source(%dma_start3A_118 : memref<16777216xf32, #tpu.memory_space<hbm>>) target(%arg10 : memref<8192xf32, #tpu.memory_space<vmem>>) offsets(%arg6 : memref<8192xi32, #tpu.memory_space<vmem>>) semaphore(%arg14 : memref<!tpu.dma_semaphore, #tpu.memory_space<semaphore_mem>>)
      } else {
      }
      %dma_wait3A_87 = arith.constant 0 : i32
      %dma_wait3A_88 = tpu.memref_slice %arg2[%dma_wait3A_87] : memref<16777216xf32, #tpu.memory_space<hbm>> -> memref<16777216xf32, #tpu.memory_space<hbm>>
      tpu.wait_indirect_dma semaphore(%arg15 : memref<!tpu.dma_semaphore, #tpu.memory_space<semaphore_mem>>) src(%dma_wait3A_88 : memref<16777216xf32, #tpu.memory_space<hbm>>) dst(%arg11 : memref<8192xf32, #tpu.memory_space<vmem>>)
      %mul3A_89 = arith.constant 8192 : i32
      %mul3A_90 = arith.muli %add3A_79, %mul3A_89 : i32
      %add3A_91 = arith.addi %mul3A_2, %mul3A_90 : i32
      %dma_start3A_92 = tpu.memref_slice %arg4[%add3A_91] : memref<4194304xf32, #tpu.memory_space<hbm>> -> memref<8192xf32, #tpu.memory_space<hbm>>
      %dma_start3A_93 = tpu.memref_slice %arg4[%add3A_91] : memref<4194304xf32, #tpu.memory_space<hbm>> -> memref<8192xf32, #tpu.memory_space<hbm>>
      tpu.enqueue_dma source(%arg11 : memref<8192xf32, #tpu.memory_space<vmem>>) target(%dma_start3A_93 : memref<8192xf32, #tpu.memory_space<hbm>>) target_semaphore(%arg19 : memref<!tpu.dma_semaphore, #tpu.memory_space<semaphore_mem>>)
      %add3A_94 = arith.constant 3 : i32
      %add3A_95 = arith.addi %add3A_48, %add3A_94 : i32
      %add3A_96 = arith.constant 3 : i32
      %add3A_97 = arith.addi %add3A_95, %add3A_96 : i32
      %lt3A_98 = arith.constant 16 : i32
      %lt3A_99 = arith.cmpi slt, %add3A_97, %lt3A_98 : i32
      %convert_element_type3A_100 = arith.extui %lt3A_99 : i1 to i32
      %cond3A_101 = arith.constant 0 : i32
      %cond3A_102 = arith.cmpi ne, %convert_element_type3A_100, %cond3A_101 : i32
      scf.if %cond3A_102 {
        %mul3A_110 = arith.constant 8192 : i32
        %mul3A_111 = arith.muli %add3A_97, %mul3A_110 : i32
        %add3A_112 = arith.addi %mul3A_2, %mul3A_111 : i32
        "tpu.region"() ({
          %run_scoped3A = tpu.sem_alloc : memref<!tpu.dma_semaphore, #tpu.memory_space<semaphore_mem>>
          %dma_start3A_119 = tpu.memref_slice %arg3[%add3A_112] : memref<4194304xi32, #tpu.memory_space<hbm>> -> memref<8192xi32, #tpu.memory_space<hbm>>
          %dma_start3A_120 = tpu.memref_slice %arg3[%add3A_112] : memref<4194304xi32, #tpu.memory_space<hbm>> -> memref<8192xi32, #tpu.memory_space<hbm>>
          tpu.enqueue_dma source(%dma_start3A_120 : memref<8192xi32, #tpu.memory_space<hbm>>) target(%arg7 : memref<8192xi32, #tpu.memory_space<vmem>>) target_semaphore(%run_scoped3A : memref<!tpu.dma_semaphore, #tpu.memory_space<semaphore_mem>>)
          %dma_wait3A_121 = tpu.memref_slice %arg3[%add3A_112] : memref<4194304xi32, #tpu.memory_space<hbm>> -> memref<8192xi32, #tpu.memory_space<hbm>>
          %dma_wait3A_122 = tpu.memref_slice %arg3[%add3A_112] : memref<4194304xi32, #tpu.memory_space<hbm>> -> memref<8192xi32, #tpu.memory_space<hbm>>
          tpu.wait_dma2 semaphore(%run_scoped3A : memref<!tpu.dma_semaphore, #tpu.memory_space<semaphore_mem>>) src(%dma_wait3A_122 : memref<8192xi32, #tpu.memory_space<hbm>>) dst(%arg7 : memref<8192xi32, #tpu.memory_space<vmem>>)
          tpu.yield
        }) : () -> ()
        %ge3A = arith.constant 4 : i32
        %ge3A_113 = arith.cmpi sge, %add3A_97, %ge3A : i32
        %convert_element_type3A_114 = arith.extui %ge3A_113 : i1 to i32
        %cond3A_115 = arith.constant 0 : i32
        %cond3A_116 = arith.cmpi ne, %convert_element_type3A_114, %cond3A_115 : i32
        scf.if %cond3A_116 {
          %sub3A_119 = arith.constant 4 : i32
          %sub3A_120 = arith.subi %add3A_97, %sub3A_119 : i32
          %mul3A_121 = arith.constant 8192 : i32
          %mul3A_122 = arith.muli %sub3A_120, %mul3A_121 : i32
          %add3A_123 = arith.addi %mul3A_2, %mul3A_122 : i32
          %dma_wait3A_124 = tpu.memref_slice %arg4[%add3A_123] : memref<4194304xf32, #tpu.memory_space<hbm>> -> memref<8192xf32, #tpu.memory_space<hbm>>
          %dma_wait3A_125 = tpu.memref_slice %arg4[%add3A_123] : memref<4194304xf32, #tpu.memory_space<hbm>> -> memref<8192xf32, #tpu.memory_space<hbm>>
          tpu.wait_dma2 semaphore(%arg19 : memref<!tpu.dma_semaphore, #tpu.memory_space<semaphore_mem>>) src(%arg11 : memref<8192xf32, #tpu.memory_space<vmem>>) dst(%dma_wait3A_125 : memref<8192xf32, #tpu.memory_space<hbm>>)
        } else {
        }
        %dma_start3A_117 = arith.constant 0 : i32
        %dma_start3A_118 = tpu.memref_slice %arg2[%dma_start3A_117] : memref<16777216xf32, #tpu.memory_space<hbm>> -> memref<16777216xf32, #tpu.memory_space<hbm>>
        tpu.enqueue_indirect_dma source(%dma_start3A_118 : memref<16777216xf32, #tpu.memory_space<hbm>>) target(%arg11 : memref<8192xf32, #tpu.memory_space<vmem>>) offsets(%arg7 : memref<8192xi32, #tpu.memory_space<vmem>>) semaphore(%arg15 : memref<!tpu.dma_semaphore, #tpu.memory_space<semaphore_mem>>)
      } else {
      }
      %dma_wait3A_103 = arith.constant 0 : i32
      %dma_wait3A_104 = tpu.memref_slice %arg2[%dma_wait3A_103] : memref<16777216xf32, #tpu.memory_space<hbm>> -> memref<16777216xf32, #tpu.memory_space<hbm>>
      tpu.wait_indirect_dma semaphore(%arg16 : memref<!tpu.dma_semaphore, #tpu.memory_space<semaphore_mem>>) src(%dma_wait3A_104 : memref<16777216xf32, #tpu.memory_space<hbm>>) dst(%arg12 : memref<8192xf32, #tpu.memory_space<vmem>>)
      %mul3A_105 = arith.constant 8192 : i32
      %mul3A_106 = arith.muli %add3A_95, %mul3A_105 : i32
      %add3A_107 = arith.addi %mul3A_2, %mul3A_106 : i32
      %dma_start3A_108 = tpu.memref_slice %arg4[%add3A_107] : memref<4194304xf32, #tpu.memory_space<hbm>> -> memref<8192xf32, #tpu.memory_space<hbm>>
      %dma_start3A_109 = tpu.memref_slice %arg4[%add3A_107] : memref<4194304xf32, #tpu.memory_space<hbm>> -> memref<8192xf32, #tpu.memory_space<hbm>>
      tpu.enqueue_dma source(%arg12 : memref<8192xf32, #tpu.memory_space<vmem>>) target(%dma_start3A_109 : memref<8192xf32, #tpu.memory_space<hbm>>) target_semaphore(%arg20 : memref<!tpu.dma_semaphore, #tpu.memory_space<semaphore_mem>>)
    }
    %while3A_30 = arith.constant 1 : i32
    scf.for %while3A_46 = %while3A_28 to %while3A_24 step %while3A_30  : i32 {
      %mul3A_47 = arith.muli %while3A_46, %while3A : i32
      %add3A_48 = arith.addi %while3A_21, %mul3A_47 : i32
      %add3A_49 = arith.constant 0 : i32
      %add3A_50 = arith.addi %add3A_48, %add3A_49 : i32
      %add3A_51 = arith.constant 3 : i32
      %add3A_52 = arith.addi %add3A_50, %add3A_51 : i32
      %lt3A = arith.constant 16 : i32
      %lt3A_53 = arith.cmpi slt, %add3A_52, %lt3A : i32
      %convert_element_type3A = arith.extui %lt3A_53 : i1 to i32
      %cond3A = arith.constant 0 : i32
      %cond3A_54 = arith.cmpi ne, %convert_element_type3A, %cond3A : i32
      scf.if %cond3A_54 {
        %mul3A_110 = arith.constant 8192 : i32
        %mul3A_111 = arith.muli %add3A_52, %mul3A_110 : i32
        %add3A_112 = arith.addi %mul3A_2, %mul3A_111 : i32
        "tpu.region"() ({
          %run_scoped3A = tpu.sem_alloc : memref<!tpu.dma_semaphore, #tpu.memory_space<semaphore_mem>>
          %dma_start3A_119 = tpu.memref_slice %arg3[%add3A_112] : memref<4194304xi32, #tpu.memory_space<hbm>> -> memref<8192xi32, #tpu.memory_space<hbm>>
          %dma_start3A_120 = tpu.memref_slice %arg3[%add3A_112] : memref<4194304xi32, #tpu.memory_space<hbm>> -> memref<8192xi32, #tpu.memory_space<hbm>>
          tpu.enqueue_dma source(%dma_start3A_120 : memref<8192xi32, #tpu.memory_space<hbm>>) target(%arg8 : memref<8192xi32, #tpu.memory_space<vmem>>) target_semaphore(%run_scoped3A : memref<!tpu.dma_semaphore, #tpu.memory_space<semaphore_mem>>)
          %dma_wait3A_121 = tpu.memref_slice %arg3[%add3A_112] : memref<4194304xi32, #tpu.memory_space<hbm>> -> memref<8192xi32, #tpu.memory_space<hbm>>
          %dma_wait3A_122 = tpu.memref_slice %arg3[%add3A_112] : memref<4194304xi32, #tpu.memory_space<hbm>> -> memref<8192xi32, #tpu.memory_space<hbm>>
          tpu.wait_dma2 semaphore(%run_scoped3A : memref<!tpu.dma_semaphore, #tpu.memory_space<semaphore_mem>>) src(%dma_wait3A_122 : memref<8192xi32, #tpu.memory_space<hbm>>) dst(%arg8 : memref<8192xi32, #tpu.memory_space<vmem>>)
          tpu.yield
        }) : () -> ()
        %ge3A = arith.constant 4 : i32
        %ge3A_113 = arith.cmpi sge, %add3A_52, %ge3A : i32
        %convert_element_type3A_114 = arith.extui %ge3A_113 : i1 to i32
        %cond3A_115 = arith.constant 0 : i32
        %cond3A_116 = arith.cmpi ne, %convert_element_type3A_114, %cond3A_115 : i32
        scf.if %cond3A_116 {
          %sub3A_119 = arith.constant 4 : i32
          %sub3A_120 = arith.subi %add3A_52, %sub3A_119 : i32
          %mul3A_121 = arith.constant 8192 : i32
          %mul3A_122 = arith.muli %sub3A_120, %mul3A_121 : i32
          %add3A_123 = arith.addi %mul3A_2, %mul3A_122 : i32
          %dma_wait3A_124 = tpu.memref_slice %arg4[%add3A_123] : memref<4194304xf32, #tpu.memory_space<hbm>> -> memref<8192xf32, #tpu.memory_space<hbm>>
          %dma_wait3A_125 = tpu.memref_slice %arg4[%add3A_123] : memref<4194304xf32, #tpu.memory_space<hbm>> -> memref<8192xf32, #tpu.memory_space<hbm>>
          tpu.wait_dma2 semaphore(%arg20 : memref<!tpu.dma_semaphore, #tpu.memory_space<semaphore_mem>>) src(%arg12 : memref<8192xf32, #tpu.memory_space<vmem>>) dst(%dma_wait3A_125 : memref<8192xf32, #tpu.memory_space<hbm>>)
        } else {
        }
        %dma_start3A_117 = arith.constant 0 : i32
        %dma_start3A_118 = tpu.memref_slice %arg2[%dma_start3A_117] : memref<16777216xf32, #tpu.memory_space<hbm>> -> memref<16777216xf32, #tpu.memory_space<hbm>>
        tpu.enqueue_indirect_dma source(%dma_start3A_118 : memref<16777216xf32, #tpu.memory_space<hbm>>) target(%arg12 : memref<8192xf32, #tpu.memory_space<vmem>>) offsets(%arg8 : memref<8192xi32, #tpu.memory_space<vmem>>) semaphore(%arg16 : memref<!tpu.dma_semaphore, #tpu.memory_space<semaphore_mem>>)
      } else {
      }
      %dma_wait3A_55 = arith.constant 0 : i32
      %dma_wait3A_56 = tpu.memref_slice %arg2[%dma_wait3A_55] : memref<16777216xf32, #tpu.memory_space<hbm>> -> memref<16777216xf32, #tpu.memory_space<hbm>>
      tpu.wait_indirect_dma semaphore(%arg13 : memref<!tpu.dma_semaphore, #tpu.memory_space<semaphore_mem>>) src(%dma_wait3A_56 : memref<16777216xf32, #tpu.memory_space<hbm>>) dst(%arg9 : memref<8192xf32, #tpu.memory_space<vmem>>)
      %mul3A_57 = arith.constant 8192 : i32
      %mul3A_58 = arith.muli %add3A_50, %mul3A_57 : i32
      %add3A_59 = arith.addi %mul3A_2, %mul3A_58 : i32
      %dma_start3A_60 = tpu.memref_slice %arg4[%add3A_59] : memref<4194304xf32, #tpu.memory_space<hbm>> -> memref<8192xf32, #tpu.memory_space<hbm>>
      %dma_start3A_61 = tpu.memref_slice %arg4[%add3A_59] : memref<4194304xf32, #tpu.memory_space<hbm>> -> memref<8192xf32, #tpu.memory_space<hbm>>
      tpu.enqueue_dma source(%arg9 : memref<8192xf32, #tpu.memory_space<vmem>>) target(%dma_start3A_61 : memref<8192xf32, #tpu.memory_space<hbm>>) target_semaphore(%arg17 : memref<!tpu.dma_semaphore, #tpu.memory_space<semaphore_mem>>)
      %add3A_62 = arith.constant 1 : i32
      %add3A_63 = arith.addi %add3A_48, %add3A_62 : i32
      %add3A_64 = arith.constant 3 : i32
      %add3A_65 = arith.addi %add3A_63, %add3A_64 : i32
      %lt3A_66 = arith.constant 16 : i32
      %lt3A_67 = arith.cmpi slt, %add3A_65, %lt3A_66 : i32
      %convert_element_type3A_68 = arith.extui %lt3A_67 : i1 to i32
      %cond3A_69 = arith.constant 0 : i32
      %cond3A_70 = arith.cmpi ne, %convert_element_type3A_68, %cond3A_69 : i32
      scf.if %cond3A_70 {
        %mul3A_110 = arith.constant 8192 : i32
        %mul3A_111 = arith.muli %add3A_65, %mul3A_110 : i32
        %add3A_112 = arith.addi %mul3A_2, %mul3A_111 : i32
        "tpu.region"() ({
          %run_scoped3A = tpu.sem_alloc : memref<!tpu.dma_semaphore, #tpu.memory_space<semaphore_mem>>
          %dma_start3A_119 = tpu.memref_slice %arg3[%add3A_112] : memref<4194304xi32, #tpu.memory_space<hbm>> -> memref<8192xi32, #tpu.memory_space<hbm>>
          %dma_start3A_120 = tpu.memref_slice %arg3[%add3A_112] : memref<4194304xi32, #tpu.memory_space<hbm>> -> memref<8192xi32, #tpu.memory_space<hbm>>
          tpu.enqueue_dma source(%dma_start3A_120 : memref<8192xi32, #tpu.memory_space<hbm>>) target(%arg5 : memref<8192xi32, #tpu.memory_space<vmem>>) target_semaphore(%run_scoped3A : memref<!tpu.dma_semaphore, #tpu.memory_space<semaphore_mem>>)
          %dma_wait3A_121 = tpu.memref_slice %arg3[%add3A_112] : memref<4194304xi32, #tpu.memory_space<hbm>> -> memref<8192xi32, #tpu.memory_space<hbm>>
          %dma_wait3A_122 = tpu.memref_slice %arg3[%add3A_112] : memref<4194304xi32, #tpu.memory_space<hbm>> -> memref<8192xi32, #tpu.memory_space<hbm>>
          tpu.wait_dma2 semaphore(%run_scoped3A : memref<!tpu.dma_semaphore, #tpu.memory_space<semaphore_mem>>) src(%dma_wait3A_122 : memref<8192xi32, #tpu.memory_space<hbm>>) dst(%arg5 : memref<8192xi32, #tpu.memory_space<vmem>>)
          tpu.yield
        }) : () -> ()
        %ge3A = arith.constant 4 : i32
        %ge3A_113 = arith.cmpi sge, %add3A_65, %ge3A : i32
        %convert_element_type3A_114 = arith.extui %ge3A_113 : i1 to i32
        %cond3A_115 = arith.constant 0 : i32
        %cond3A_116 = arith.cmpi ne, %convert_element_type3A_114, %cond3A_115 : i32
        scf.if %cond3A_116 {
          %sub3A_119 = arith.constant 4 : i32
          %sub3A_120 = arith.subi %add3A_65, %sub3A_119 : i32
          %mul3A_121 = arith.constant 8192 : i32
          %mul3A_122 = arith.muli %sub3A_120, %mul3A_121 : i32
          %add3A_123 = arith.addi %mul3A_2, %mul3A_122 : i32
          %dma_wait3A_124 = tpu.memref_slice %arg4[%add3A_123] : memref<4194304xf32, #tpu.memory_space<hbm>> -> memref<8192xf32, #tpu.memory_space<hbm>>
          %dma_wait3A_125 = tpu.memref_slice %arg4[%add3A_123] : memref<4194304xf32, #tpu.memory_space<hbm>> -> memref<8192xf32, #tpu.memory_space<hbm>>
          tpu.wait_dma2 semaphore(%arg17 : memref<!tpu.dma_semaphore, #tpu.memory_space<semaphore_mem>>) src(%arg9 : memref<8192xf32, #tpu.memory_space<vmem>>) dst(%dma_wait3A_125 : memref<8192xf32, #tpu.memory_space<hbm>>)
        } else {
        }
        %dma_start3A_117 = arith.constant 0 : i32
        %dma_start3A_118 = tpu.memref_slice %arg2[%dma_start3A_117] : memref<16777216xf32, #tpu.memory_space<hbm>> -> memref<16777216xf32, #tpu.memory_space<hbm>>
        tpu.enqueue_indirect_dma source(%dma_start3A_118 : memref<16777216xf32, #tpu.memory_space<hbm>>) target(%arg9 : memref<8192xf32, #tpu.memory_space<vmem>>) offsets(%arg5 : memref<8192xi32, #tpu.memory_space<vmem>>) semaphore(%arg13 : memref<!tpu.dma_semaphore, #tpu.memory_space<semaphore_mem>>)
      } else {
      }
      %dma_wait3A_71 = arith.constant 0 : i32
      %dma_wait3A_72 = tpu.memref_slice %arg2[%dma_wait3A_71] : memref<16777216xf32, #tpu.memory_space<hbm>> -> memref<16777216xf32, #tpu.memory_space<hbm>>
      tpu.wait_indirect_dma semaphore(%arg14 : memref<!tpu.dma_semaphore, #tpu.memory_space<semaphore_mem>>) src(%dma_wait3A_72 : memref<16777216xf32, #tpu.memory_space<hbm>>) dst(%arg10 : memref<8192xf32, #tpu.memory_space<vmem>>)
      %mul3A_73 = arith.constant 8192 : i32
      %mul3A_74 = arith.muli %add3A_63, %mul3A_73 : i32
      %add3A_75 = arith.addi %mul3A_2, %mul3A_74 : i32
      %dma_start3A_76 = tpu.memref_slice %arg4[%add3A_75] : memref<4194304xf32, #tpu.memory_space<hbm>> -> memref<8192xf32, #tpu.memory_space<hbm>>
      %dma_start3A_77 = tpu.memref_slice %arg4[%add3A_75] : memref<4194304xf32, #tpu.memory_space<hbm>> -> memref<8192xf32, #tpu.memory_space<hbm>>
      tpu.enqueue_dma source(%arg10 : memref<8192xf32, #tpu.memory_space<vmem>>) target(%dma_start3A_77 : memref<8192xf32, #tpu.memory_space<hbm>>) target_semaphore(%arg18 : memref<!tpu.dma_semaphore, #tpu.memory_space<semaphore_mem>>)
      %add3A_78 = arith.constant 2 : i32
      %add3A_79 = arith.addi %add3A_48, %add3A_78 : i32
      %add3A_80 = arith.constant 3 : i32
      %add3A_81 = arith.addi %add3A_79, %add3A_80 : i32
      %lt3A_82 = arith.constant 16 : i32
      %lt3A_83 = arith.cmpi slt, %add3A_81, %lt3A_82 : i32
      %convert_element_type3A_84 = arith.extui %lt3A_83 : i1 to i32
      %cond3A_85 = arith.constant 0 : i32
      %cond3A_86 = arith.cmpi ne, %convert_element_type3A_84, %cond3A_85 : i32
      scf.if %cond3A_86 {
        %mul3A_110 = arith.constant 8192 : i32
        %mul3A_111 = arith.muli %add3A_81, %mul3A_110 : i32
        %add3A_112 = arith.addi %mul3A_2, %mul3A_111 : i32
        "tpu.region"() ({
          %run_scoped3A = tpu.sem_alloc : memref<!tpu.dma_semaphore, #tpu.memory_space<semaphore_mem>>
          %dma_start3A_119 = tpu.memref_slice %arg3[%add3A_112] : memref<4194304xi32, #tpu.memory_space<hbm>> -> memref<8192xi32, #tpu.memory_space<hbm>>
          %dma_start3A_120 = tpu.memref_slice %arg3[%add3A_112] : memref<4194304xi32, #tpu.memory_space<hbm>> -> memref<8192xi32, #tpu.memory_space<hbm>>
          tpu.enqueue_dma source(%dma_start3A_120 : memref<8192xi32, #tpu.memory_space<hbm>>) target(%arg6 : memref<8192xi32, #tpu.memory_space<vmem>>) target_semaphore(%run_scoped3A : memref<!tpu.dma_semaphore, #tpu.memory_space<semaphore_mem>>)
          %dma_wait3A_121 = tpu.memref_slice %arg3[%add3A_112] : memref<4194304xi32, #tpu.memory_space<hbm>> -> memref<8192xi32, #tpu.memory_space<hbm>>
          %dma_wait3A_122 = tpu.memref_slice %arg3[%add3A_112] : memref<4194304xi32, #tpu.memory_space<hbm>> -> memref<8192xi32, #tpu.memory_space<hbm>>
          tpu.wait_dma2 semaphore(%run_scoped3A : memref<!tpu.dma_semaphore, #tpu.memory_space<semaphore_mem>>) src(%dma_wait3A_122 : memref<8192xi32, #tpu.memory_space<hbm>>) dst(%arg6 : memref<8192xi32, #tpu.memory_space<vmem>>)
          tpu.yield
        }) : () -> ()
        %ge3A = arith.constant 4 : i32
        %ge3A_113 = arith.cmpi sge, %add3A_81, %ge3A : i32
        %convert_element_type3A_114 = arith.extui %ge3A_113 : i1 to i32
        %cond3A_115 = arith.constant 0 : i32
        %cond3A_116 = arith.cmpi ne, %convert_element_type3A_114, %cond3A_115 : i32
        scf.if %cond3A_116 {
          %sub3A_119 = arith.constant 4 : i32
          %sub3A_120 = arith.subi %add3A_81, %sub3A_119 : i32
          %mul3A_121 = arith.constant 8192 : i32
          %mul3A_122 = arith.muli %sub3A_120, %mul3A_121 : i32
          %add3A_123 = arith.addi %mul3A_2, %mul3A_122 : i32
          %dma_wait3A_124 = tpu.memref_slice %arg4[%add3A_123] : memref<4194304xf32, #tpu.memory_space<hbm>> -> memref<8192xf32, #tpu.memory_space<hbm>>
          %dma_wait3A_125 = tpu.memref_slice %arg4[%add3A_123] : memref<4194304xf32, #tpu.memory_space<hbm>> -> memref<8192xf32, #tpu.memory_space<hbm>>
          tpu.wait_dma2 semaphore(%arg18 : memref<!tpu.dma_semaphore, #tpu.memory_space<semaphore_mem>>) src(%arg10 : memref<8192xf32, #tpu.memory_space<vmem>>) dst(%dma_wait3A_125 : memref<8192xf32, #tpu.memory_space<hbm>>)
        } else {
        }
        %dma_start3A_117 = arith.constant 0 : i32
        %dma_start3A_118 = tpu.memref_slice %arg2[%dma_start3A_117] : memref<16777216xf32, #tpu.memory_space<hbm>> -> memref<16777216xf32, #tpu.memory_space<hbm>>
        tpu.enqueue_indirect_dma source(%dma_start3A_118 : memref<16777216xf32, #tpu.memory_space<hbm>>) target(%arg10 : memref<8192xf32, #tpu.memory_space<vmem>>) offsets(%arg6 : memref<8192xi32, #tpu.memory_space<vmem>>) semaphore(%arg14 : memref<!tpu.dma_semaphore, #tpu.memory_space<semaphore_mem>>)
      } else {
      }
      %dma_wait3A_87 = arith.constant 0 : i32
      %dma_wait3A_88 = tpu.memref_slice %arg2[%dma_wait3A_87] : memref<16777216xf32, #tpu.memory_space<hbm>> -> memref<16777216xf32, #tpu.memory_space<hbm>>
      tpu.wait_indirect_dma semaphore(%arg15 : memref<!tpu.dma_semaphore, #tpu.memory_space<semaphore_mem>>) src(%dma_wait3A_88 : memref<16777216xf32, #tpu.memory_space<hbm>>) dst(%arg11 : memref<8192xf32, #tpu.memory_space<vmem>>)
      %mul3A_89 = arith.constant 8192 : i32
      %mul3A_90 = arith.muli %add3A_79, %mul3A_89 : i32
      %add3A_91 = arith.addi %mul3A_2, %mul3A_90 : i32
      %dma_start3A_92 = tpu.memref_slice %arg4[%add3A_91] : memref<4194304xf32, #tpu.memory_space<hbm>> -> memref<8192xf32, #tpu.memory_space<hbm>>
      %dma_start3A_93 = tpu.memref_slice %arg4[%add3A_91] : memref<4194304xf32, #tpu.memory_space<hbm>> -> memref<8192xf32, #tpu.memory_space<hbm>>
      tpu.enqueue_dma source(%arg11 : memref<8192xf32, #tpu.memory_space<vmem>>) target(%dma_start3A_93 : memref<8192xf32, #tpu.memory_space<hbm>>) target_semaphore(%arg19 : memref<!tpu.dma_semaphore, #tpu.memory_space<semaphore_mem>>)
      %add3A_94 = arith.constant 3 : i32
      %add3A_95 = arith.addi %add3A_48, %add3A_94 : i32
      %add3A_96 = arith.constant 3 : i32
      %add3A_97 = arith.addi %add3A_95, %add3A_96 : i32
      %lt3A_98 = arith.constant 16 : i32
      %lt3A_99 = arith.cmpi slt, %add3A_97, %lt3A_98 : i32
      %convert_element_type3A_100 = arith.extui %lt3A_99 : i1 to i32
      %cond3A_101 = arith.constant 0 : i32
      %cond3A_102 = arith.cmpi ne, %convert_element_type3A_100, %cond3A_101 : i32
      scf.if %cond3A_102 {
        %mul3A_110 = arith.constant 8192 : i32
        %mul3A_111 = arith.muli %add3A_97, %mul3A_110 : i32
        %add3A_112 = arith.addi %mul3A_2, %mul3A_111 : i32
        "tpu.region"() ({
          %run_scoped3A = tpu.sem_alloc : memref<!tpu.dma_semaphore, #tpu.memory_space<semaphore_mem>>
          %dma_start3A_119 = tpu.memref_slice %arg3[%add3A_112] : memref<4194304xi32, #tpu.memory_space<hbm>> -> memref<8192xi32, #tpu.memory_space<hbm>>
          %dma_start3A_120 = tpu.memref_slice %arg3[%add3A_112] : memref<4194304xi32, #tpu.memory_space<hbm>> -> memref<8192xi32, #tpu.memory_space<hbm>>
          tpu.enqueue_dma source(%dma_start3A_120 : memref<8192xi32, #tpu.memory_space<hbm>>) target(%arg7 : memref<8192xi32, #tpu.memory_space<vmem>>) target_semaphore(%run_scoped3A : memref<!tpu.dma_semaphore, #tpu.memory_space<semaphore_mem>>)
          %dma_wait3A_121 = tpu.memref_slice %arg3[%add3A_112] : memref<4194304xi32, #tpu.memory_space<hbm>> -> memref<8192xi32, #tpu.memory_space<hbm>>
          %dma_wait3A_122 = tpu.memref_slice %arg3[%add3A_112] : memref<4194304xi32, #tpu.memory_space<hbm>> -> memref<8192xi32, #tpu.memory_space<hbm>>
          tpu.wait_dma2 semaphore(%run_scoped3A : memref<!tpu.dma_semaphore, #tpu.memory_space<semaphore_mem>>) src(%dma_wait3A_122 : memref<8192xi32, #tpu.memory_space<hbm>>) dst(%arg7 : memref<8192xi32, #tpu.memory_space<vmem>>)
          tpu.yield
        }) : () -> ()
        %ge3A = arith.constant 4 : i32
        %ge3A_113 = arith.cmpi sge, %add3A_97, %ge3A : i32
        %convert_element_type3A_114 = arith.extui %ge3A_113 : i1 to i32
        %cond3A_115 = arith.constant 0 : i32
        %cond3A_116 = arith.cmpi ne, %convert_element_type3A_114, %cond3A_115 : i32
        scf.if %cond3A_116 {
          %sub3A_119 = arith.constant 4 : i32
          %sub3A_120 = arith.subi %add3A_97, %sub3A_119 : i32
          %mul3A_121 = arith.constant 8192 : i32
          %mul3A_122 = arith.muli %sub3A_120, %mul3A_121 : i32
          %add3A_123 = arith.addi %mul3A_2, %mul3A_122 : i32
          %dma_wait3A_124 = tpu.memref_slice %arg4[%add3A_123] : memref<4194304xf32, #tpu.memory_space<hbm>> -> memref<8192xf32, #tpu.memory_space<hbm>>
          %dma_wait3A_125 = tpu.memref_slice %arg4[%add3A_123] : memref<4194304xf32, #tpu.memory_space<hbm>> -> memref<8192xf32, #tpu.memory_space<hbm>>
          tpu.wait_dma2 semaphore(%arg19 : memref<!tpu.dma_semaphore, #tpu.memory_space<semaphore_mem>>) src(%arg11 : memref<8192xf32, #tpu.memory_space<vmem>>) dst(%dma_wait3A_125 : memref<8192xf32, #tpu.memory_space<hbm>>)
        } else {
        }
        %dma_start3A_117 = arith.constant 0 : i32
        %dma_start3A_118 = tpu.memref_slice %arg2[%dma_start3A_117] : memref<16777216xf32, #tpu.memory_space<hbm>> -> memref<16777216xf32, #tpu.memory_space<hbm>>
        tpu.enqueue_indirect_dma source(%dma_start3A_118 : memref<16777216xf32, #tpu.memory_space<hbm>>) target(%arg11 : memref<8192xf32, #tpu.memory_space<vmem>>) offsets(%arg7 : memref<8192xi32, #tpu.memory_space<vmem>>) semaphore(%arg15 : memref<!tpu.dma_semaphore, #tpu.memory_space<semaphore_mem>>)
      } else {
      }
      %dma_wait3A_103 = arith.constant 0 : i32
      %dma_wait3A_104 = tpu.memref_slice %arg2[%dma_wait3A_103] : memref<16777216xf32, #tpu.memory_space<hbm>> -> memref<16777216xf32, #tpu.memory_space<hbm>>
      tpu.wait_indirect_dma semaphore(%arg16 : memref<!tpu.dma_semaphore, #tpu.memory_space<semaphore_mem>>) src(%dma_wait3A_104 : memref<16777216xf32, #tpu.memory_space<hbm>>) dst(%arg12 : memref<8192xf32, #tpu.memory_space<vmem>>)
      %mul3A_105 = arith.constant 8192 : i32
      %mul3A_106 = arith.muli %add3A_95, %mul3A_105 : i32
      %add3A_107 = arith.addi %mul3A_2, %mul3A_106 : i32
      %dma_start3A_108 = tpu.memref_slice %arg4[%add3A_107] : memref<4194304xf32, #tpu.memory_space<hbm>> -> memref<8192xf32, #tpu.memory_space<hbm>>
      %dma_start3A_109 = tpu.memref_slice %arg4[%add3A_107] : memref<4194304xf32, #tpu.memory_space<hbm>> -> memref<8192xf32, #tpu.memory_space<hbm>>
      tpu.enqueue_dma source(%arg12 : memref<8192xf32, #tpu.memory_space<vmem>>) target(%dma_start3A_109 : memref<8192xf32, #tpu.memory_space<hbm>>) target_semaphore(%arg20 : memref<!tpu.dma_semaphore, #tpu.memory_space<semaphore_mem>>)
    }
    %add3A_31 = arith.constant 98304 : i32
    %add3A_32 = arith.addi %mul3A_2, %add3A_31 : i32
    %dma_wait3A = tpu.memref_slice %arg4[%add3A_32] : memref<4194304xf32, #tpu.memory_space<hbm>> -> memref<8192xf32, #tpu.memory_space<hbm>>
    %dma_wait3A_33 = tpu.memref_slice %arg4[%add3A_32] : memref<4194304xf32, #tpu.memory_space<hbm>> -> memref<8192xf32, #tpu.memory_space<hbm>>
    tpu.wait_dma2 semaphore(%arg17 : memref<!tpu.dma_semaphore, #tpu.memory_space<semaphore_mem>>) src(%arg9 : memref<8192xf32, #tpu.memory_space<vmem>>) dst(%dma_wait3A_33 : memref<8192xf32, #tpu.memory_space<hbm>>)
    %add3A_34 = arith.constant 106496 : i32
    %add3A_35 = arith.addi %mul3A_2, %add3A_34 : i32
    %dma_wait3A_36 = tpu.memref_slice %arg4[%add3A_35] : memref<4194304xf32, #tpu.memory_space<hbm>> -> memref<8192xf32, #tpu.memory_space<hbm>>
    %dma_wait3A_37 = tpu.memref_slice %arg4[%add3A_35] : memref<4194304xf32, #tpu.memory_space<hbm>> -> memref<8192xf32, #tpu.memory_space<hbm>>
    tpu.wait_dma2 semaphore(%arg18 : memref<!tpu.dma_semaphore, #tpu.memory_space<semaphore_mem>>) src(%arg10 : memref<8192xf32, #tpu.memory_space<vmem>>) dst(%dma_wait3A_37 : memref<8192xf32, #tpu.memory_space<hbm>>)
    %add3A_38 = arith.constant 114688 : i32
    %add3A_39 = arith.addi %mul3A_2, %add3A_38 : i32
    %dma_wait3A_40 = tpu.memref_slice %arg4[%add3A_39] : memref<4194304xf32, #tpu.memory_space<hbm>> -> memref<8192xf32, #tpu.memory_space<hbm>>
    %dma_wait3A_41 = tpu.memref_slice %arg4[%add3A_39] : memref<4194304xf32, #tpu.memory_space<hbm>> -> memref<8192xf32, #tpu.memory_space<hbm>>
    tpu.wait_dma2 semaphore(%arg19 : memref<!tpu.dma_semaphore, #tpu.memory_space<semaphore_mem>>) src(%arg11 : memref<8192xf32, #tpu.memory_space<vmem>>) dst(%dma_wait3A_41 : memref<8192xf32, #tpu.memory_space<hbm>>)
    %add3A_42 = arith.constant 122880 : i32
    %add3A_43 = arith.addi %mul3A_2, %add3A_42 : i32
    %dma_wait3A_44 = tpu.memref_slice %arg4[%add3A_43] : memref<4194304xf32, #tpu.memory_space<hbm>> -> memref<8192xf32, #tpu.memory_space<hbm>>
    %dma_wait3A_45 = tpu.memref_slice %arg4[%add3A_43] : memref<4194304xf32, #tpu.memory_space<hbm>> -> memref<8192xf32, #tpu.memory_space<hbm>>
    tpu.wait_dma2 semaphore(%arg20 : memref<!tpu.dma_semaphore, #tpu.memory_space<semaphore_mem>>) src(%arg12 : memref<8192xf32, #tpu.memory_space<vmem>>) dst(%dma_wait3A_45 : memref<8192xf32, #tpu.memory_space<hbm>>)
    return
  }
}

#map = affine_map<(d0, d1) -> (0)>
module attributes {stable_mosaic.version = 14 : i64} {
  func.func @k(%arg0: i32, %arg1: i32, %arg2: memref<16777216xf32, #tpu.memory_space<hbm>>, %arg3: memref<4194304xi32, #tpu.memory_space<hbm>>, %arg4: memref<4194304xf32, #tpu.memory_space<hbm>>, %arg5: memref<8192xi32, #tpu.memory_space<vmem>>, %arg6: memref<8192xi32, #tpu.memory_space<vmem>>, %arg7: memref<8192xi32, #tpu.memory_space<vmem>>, %arg8: memref<8192xi32, #tpu.memory_space<vmem>>, %arg9: memref<8192xf32, #tpu.memory_space<vmem>>, %arg10: memref<8192xf32, #tpu.memory_space<vmem>>, %arg11: memref<8192xf32, #tpu.memory_space<vmem>>, %arg12: memref<8192xf32, #tpu.memory_space<vmem>>, %arg13: memref<!tpu.dma_semaphore, #tpu.memory_space<semaphore_mem>>, %arg14: memref<!tpu.dma_semaphore, #tpu.memory_space<semaphore_mem>>, %arg15: memref<!tpu.dma_semaphore, #tpu.memory_space<semaphore_mem>>, %arg16: memref<!tpu.dma_semaphore, #tpu.memory_space<semaphore_mem>>, %arg17: memref<!tpu.dma_semaphore, #tpu.memory_space<semaphore_mem>>, %arg18: memref<!tpu.dma_semaphore, #tpu.memory_space<semaphore_mem>>, %arg19: memref<!tpu.dma_semaphore, #tpu.memory_space<semaphore_mem>>, %arg20: memref<!tpu.dma_semaphore, #tpu.memory_space<semaphore_mem>>) attributes {dimension_semantics = [#tpu.dimension_semantics<core_parallel>, #tpu.dimension_semantics<subcore_parallel>], iteration_bounds = array<i64: 2, 16>, scalar_prefetch = 0 : i64, scratch_operands = 16 : i64, tpu.core_type = #tpu.core_type<sc_vector_subcore>, window_params = [{transform_indices = #map}, {transform_indices = #map}, {transform_indices = #map}]} {
    %mul3A = arith.constant 2 : i32
    %mul3A_0 = arith.muli %arg1, %mul3A : i32
    %add3A = arith.addi %mul3A_0, %arg0 : i32
    %mul3A_1 = arith.constant 131072 : i32
    %mul3A_2 = arith.muli %add3A, %mul3A_1 : i32
    %add3A_3 = arith.constant 0 : i32
    %add3A_4 = arith.addi %mul3A_2, %add3A_3 : i32
    "tpu.region"() ({
      %run_scoped3A = tpu.sem_alloc : memref<!tpu.dma_semaphore, #tpu.memory_space<semaphore_mem>>
      %dma_start3A_46 = tpu.memref_slice %arg3[%add3A_4] : memref<4194304xi32, #tpu.memory_space<hbm>> -> memref<8192xi32, #tpu.memory_space<hbm>>
      %dma_start3A_47 = tpu.memref_slice %arg3[%add3A_4] : memref<4194304xi32, #tpu.memory_space<hbm>> -> memref<8192xi32, #tpu.memory_space<hbm>>
      tpu.enqueue_dma source(%dma_start3A_47 : memref<8192xi32, #tpu.memory_space<hbm>>) target(%arg5 : memref<8192xi32, #tpu.memory_space<vmem>>) target_semaphore(%run_scoped3A : memref<!tpu.dma_semaphore, #tpu.memory_space<semaphore_mem>>)
      %dma_wait3A_48 = tpu.memref_slice %arg3[%add3A_4] : memref<4194304xi32, #tpu.memory_space<hbm>> -> memref<8192xi32, #tpu.memory_space<hbm>>
      %dma_wait3A_49 = tpu.memref_slice %arg3[%add3A_4] : memref<4194304xi32, #tpu.memory_space<hbm>> -> memref<8192xi32, #tpu.memory_space<hbm>>
      tpu.wait_dma2 semaphore(%run_scoped3A : memref<!tpu.dma_semaphore, #tpu.memory_space<semaphore_mem>>) src(%dma_wait3A_49 : memref<8192xi32, #tpu.memory_space<hbm>>) dst(%arg5 : memref<8192xi32, #tpu.memory_space<vmem>>)
      tpu.yield
    }) : () -> ()
    %dma_start3A = arith.constant 0 : i32
    %dma_start3A_5 = tpu.memref_slice %arg2[%dma_start3A] : memref<16777216xf32, #tpu.memory_space<hbm>> -> memref<16777216xf32, #tpu.memory_space<hbm>>
    tpu.enqueue_indirect_dma source(%dma_start3A_5 : memref<16777216xf32, #tpu.memory_space<hbm>>) target(%arg9 : memref<8192xf32, #tpu.memory_space<vmem>>) offsets(%arg5 : memref<8192xi32, #tpu.memory_space<vmem>>) semaphore(%arg13 : memref<!tpu.dma_semaphore, #tpu.memory_space<semaphore_mem>>)
    %add3A_6 = arith.constant 8192 : i32
    %add3A_7 = arith.addi %mul3A_2, %add3A_6 : i32
    "tpu.region"() ({
      %run_scoped3A = tpu.sem_alloc : memref<!tpu.dma_semaphore, #tpu.memory_space<semaphore_mem>>
      %dma_start3A_46 = tpu.memref_slice %arg3[%add3A_7] : memref<4194304xi32, #tpu.memory_space<hbm>> -> memref<8192xi32, #tpu.memory_space<hbm>>
      %dma_start3A_47 = tpu.memref_slice %arg3[%add3A_7] : memref<4194304xi32, #tpu.memory_space<hbm>> -> memref<8192xi32, #tpu.memory_space<hbm>>
      tpu.enqueue_dma source(%dma_start3A_47 : memref<8192xi32, #tpu.memory_space<hbm>>) target(%arg6 : memref<8192xi32, #tpu.memory_space<vmem>>) target_semaphore(%run_scoped3A : memref<!tpu.dma_semaphore, #tpu.memory_space<semaphore_mem>>)
      %dma_wait3A_48 = tpu.memref_slice %arg3[%add3A_7] : memref<4194304xi32, #tpu.memory_space<hbm>> -> memref<8192xi32, #tpu.memory_space<hbm>>
      %dma_wait3A_49 = tpu.memref_slice %arg3[%add3A_7] : memref<4194304xi32, #tpu.memory_space<hbm>> -> memref<8192xi32, #tpu.memory_space<hbm>>
      tpu.wait_dma2 semaphore(%run_scoped3A : memref<!tpu.dma_semaphore, #tpu.memory_space<semaphore_mem>>) src(%dma_wait3A_49 : memref<8192xi32, #tpu.memory_space<hbm>>) dst(%arg6 : memref<8192xi32, #tpu.memory_space<vmem>>)
      tpu.yield
    }) : () -> ()
    %dma_start3A_8 = arith.constant 0 : i32
    %dma_start3A_9 = tpu.memref_slice %arg2[%dma_start3A_8] : memref<16777216xf32, #tpu.memory_space<hbm>> -> memref<16777216xf32, #tpu.memory_space<hbm>>
    tpu.enqueue_indirect_dma source(%dma_start3A_9 : memref<16777216xf32, #tpu.memory_space<hbm>>) target(%arg10 : memref<8192xf32, #tpu.memory_space<vmem>>) offsets(%arg6 : memref<8192xi32, #tpu.memory_space<vmem>>) semaphore(%arg14 : memref<!tpu.dma_semaphore, #tpu.memory_space<semaphore_mem>>)
    %add3A_10 = arith.constant 16384 : i32
    %add3A_11 = arith.addi %mul3A_2, %add3A_10 : i32
    "tpu.region"() ({
      %run_scoped3A = tpu.sem_alloc : memref<!tpu.dma_semaphore, #tpu.memory_space<semaphore_mem>>
      %dma_start3A_46 = tpu.memref_slice %arg3[%add3A_11] : memref<4194304xi32, #tpu.memory_space<hbm>> -> memref<8192xi32, #tpu.memory_space<hbm>>
      %dma_start3A_47 = tpu.memref_slice %arg3[%add3A_11] : memref<4194304xi32, #tpu.memory_space<hbm>> -> memref<8192xi32, #tpu.memory_space<hbm>>
      tpu.enqueue_dma source(%dma_start3A_47 : memref<8192xi32, #tpu.memory_space<hbm>>) target(%arg7 : memref<8192xi32, #tpu.memory_space<vmem>>) target_semaphore(%run_scoped3A : memref<!tpu.dma_semaphore, #tpu.memory_space<semaphore_mem>>)
      %dma_wait3A_48 = tpu.memref_slice %arg3[%add3A_11] : memref<4194304xi32, #tpu.memory_space<hbm>> -> memref<8192xi32, #tpu.memory_space<hbm>>
      %dma_wait3A_49 = tpu.memref_slice %arg3[%add3A_11] : memref<4194304xi32, #tpu.memory_space<hbm>> -> memref<8192xi32, #tpu.memory_space<hbm>>
      tpu.wait_dma2 semaphore(%run_scoped3A : memref<!tpu.dma_semaphore, #tpu.memory_space<semaphore_mem>>) src(%dma_wait3A_49 : memref<8192xi32, #tpu.memory_space<hbm>>) dst(%arg7 : memref<8192xi32, #tpu.memory_space<vmem>>)
      tpu.yield
    }) : () -> ()
    %dma_start3A_12 = arith.constant 0 : i32
    %dma_start3A_13 = tpu.memref_slice %arg2[%dma_start3A_12] : memref<16777216xf32, #tpu.memory_space<hbm>> -> memref<16777216xf32, #tpu.memory_space<hbm>>
    tpu.enqueue_indirect_dma source(%dma_start3A_13 : memref<16777216xf32, #tpu.memory_space<hbm>>) target(%arg11 : memref<8192xf32, #tpu.memory_space<vmem>>) offsets(%arg7 : memref<8192xi32, #tpu.memory_space<vmem>>) semaphore(%arg15 : memref<!tpu.dma_semaphore, #tpu.memory_space<semaphore_mem>>)
    %sub3A = arith.constant 16 : i32
    %sub3A_14 = arith.constant 0 : i32
    %sub3A_15 = arith.subi %sub3A, %sub3A_14 : i32
    %sub3A_16 = arith.constant 4 : i32
    %sub3A_17 = arith.constant 1 : i32
    %sub3A_18 = arith.subi %sub3A_16, %sub3A_17 : i32
    %add3A_19 = arith.addi %sub3A_15, %sub3A_18 : i32
    %div3A = arith.constant 4 : i32
    %div3A_20 = arith.divsi %add3A_19, %div3A : i32
    %while3A = arith.constant 4 : i32
    %while3A_21 = arith.constant 0 : i32
    %while3A_22 = arith.constant 0 : i32
    %while3A_23 = arith.subi %div3A_20, %while3A_22 : i32
    %while3A_24 = arith.addi %while3A_22, %while3A_23 : i32
    %while3A_25 = arith.constant 1 : i32
    %while3A_26 = arith.divsi %while3A_23, %while3A_25 : i32
    %while3A_27 = arith.muli %while3A_26, %while3A_25 : i32
    %while3A_28 = arith.addi %while3A_22, %while3A_27 : i32
    %while3A_29 = arith.constant 1 : i32
    scf.for %while3A_46 = %while3A_22 to %while3A_28 step %while3A_29  : i32 {
      %mul3A_47 = arith.muli %while3A_46, %while3A : i32
      %add3A_48 = arith.addi %while3A_21, %mul3A_47 : i32
      %add3A_49 = arith.constant 0 : i32
      %add3A_50 = arith.addi %add3A_48, %add3A_49 : i32
      %add3A_51 = arith.constant 3 : i32
      %add3A_52 = arith.addi %add3A_50, %add3A_51 : i32
      %lt3A = arith.constant 16 : i32
      %lt3A_53 = arith.cmpi slt, %add3A_52, %lt3A : i32
      %convert_element_type3A = arith.extui %lt3A_53 : i1 to i32
      %cond3A = arith.constant 0 : i32
      %cond3A_54 = arith.cmpi ne, %convert_element_type3A, %cond3A : i32
      scf.if %cond3A_54 {
        %mul3A_110 = arith.constant 8192 : i32
        %mul3A_111 = arith.muli %add3A_52, %mul3A_110 : i32
        %add3A_112 = arith.addi %mul3A_2, %mul3A_111 : i32
        "tpu.region"() ({
          %run_scoped3A = tpu.sem_alloc : memref<!tpu.dma_semaphore, #tpu.memory_space<semaphore_mem>>
          %dma_start3A_119 = tpu.memref_slice %arg3[%add3A_112] : memref<4194304xi32, #tpu.memory_space<hbm>> -> memref<8192xi32, #tpu.memory_space<hbm>>
          %dma_start3A_120 = tpu.memref_slice %arg3[%add3A_112] : memref<4194304xi32, #tpu.memory_space<hbm>> -> memref<8192xi32, #tpu.memory_space<hbm>>
          tpu.enqueue_dma source(%dma_start3A_120 : memref<8192xi32, #tpu.memory_space<hbm>>) target(%arg8 : memref<8192xi32, #tpu.memory_space<vmem>>) target_semaphore(%run_scoped3A : memref<!tpu.dma_semaphore, #tpu.memory_space<semaphore_mem>>)
          %dma_wait3A_121 = tpu.memref_slice %arg3[%add3A_112] : memref<4194304xi32, #tpu.memory_space<hbm>> -> memref<8192xi32, #tpu.memory_space<hbm>>
          %dma_wait3A_122 = tpu.memref_slice %arg3[%add3A_112] : memref<4194304xi32, #tpu.memory_space<hbm>> -> memref<8192xi32, #tpu.memory_space<hbm>>
          tpu.wait_dma2 semaphore(%run_scoped3A : memref<!tpu.dma_semaphore, #tpu.memory_space<semaphore_mem>>) src(%dma_wait3A_122 : memref<8192xi32, #tpu.memory_space<hbm>>) dst(%arg8 : memref<8192xi32, #tpu.memory_space<vmem>>)
          tpu.yield
        }) : () -> ()
        %ge3A = arith.constant 4 : i32
        %ge3A_113 = arith.cmpi sge, %add3A_52, %ge3A : i32
        %convert_element_type3A_114 = arith.extui %ge3A_113 : i1 to i32
        %cond3A_115 = arith.constant 0 : i32
        %cond3A_116 = arith.cmpi ne, %convert_element_type3A_114, %cond3A_115 : i32
        scf.if %cond3A_116 {
          %sub3A_119 = arith.constant 4 : i32
          %sub3A_120 = arith.subi %add3A_52, %sub3A_119 : i32
          %mul3A_121 = arith.constant 8192 : i32
          %mul3A_122 = arith.muli %sub3A_120, %mul3A_121 : i32
          %add3A_123 = arith.addi %mul3A_2, %mul3A_122 : i32
          %dma_wait3A_124 = tpu.memref_slice %arg4[%add3A_123] : memref<4194304xf32, #tpu.memory_space<hbm>> -> memref<8192xf32, #tpu.memory_space<hbm>>
          %dma_wait3A_125 = tpu.memref_slice %arg4[%add3A_123] : memref<4194304xf32, #tpu.memory_space<hbm>> -> memref<8192xf32, #tpu.memory_space<hbm>>
          tpu.wait_dma2 semaphore(%arg20 : memref<!tpu.dma_semaphore, #tpu.memory_space<semaphore_mem>>) src(%arg12 : memref<8192xf32, #tpu.memory_space<vmem>>) dst(%dma_wait3A_125 : memref<8192xf32, #tpu.memory_space<hbm>>)
        } else {
        }
        %dma_start3A_117 = arith.constant 0 : i32
        %dma_start3A_118 = tpu.memref_slice %arg2[%dma_start3A_117] : memref<16777216xf32, #tpu.memory_space<hbm>> -> memref<16777216xf32, #tpu.memory_space<hbm>>
        tpu.enqueue_indirect_dma source(%dma_start3A_118 : memref<16777216xf32, #tpu.memory_space<hbm>>) target(%arg12 : memref<8192xf32, #tpu.memory_space<vmem>>) offsets(%arg8 : memref<8192xi32, #tpu.memory_space<vmem>>) semaphore(%arg16 : memref<!tpu.dma_semaphore, #tpu.memory_space<semaphore_mem>>)
      } else {
      }
      %dma_wait3A_55 = arith.constant 0 : i32
      %dma_wait3A_56 = tpu.memref_slice %arg2[%dma_wait3A_55] : memref<16777216xf32, #tpu.memory_space<hbm>> -> memref<16777216xf32, #tpu.memory_space<hbm>>
      tpu.wait_indirect_dma semaphore(%arg13 : memref<!tpu.dma_semaphore, #tpu.memory_space<semaphore_mem>>) src(%dma_wait3A_56 : memref<16777216xf32, #tpu.memory_space<hbm>>) dst(%arg9 : memref<8192xf32, #tpu.memory_space<vmem>>)
      %mul3A_57 = arith.constant 8192 : i32
      %mul3A_58 = arith.muli %add3A_50, %mul3A_57 : i32
      %add3A_59 = arith.addi %mul3A_2, %mul3A_58 : i32
      %dma_start3A_60 = tpu.memref_slice %arg4[%add3A_59] : memref<4194304xf32, #tpu.memory_space<hbm>> -> memref<8192xf32, #tpu.memory_space<hbm>>
      %dma_start3A_61 = tpu.memref_slice %arg4[%add3A_59] : memref<4194304xf32, #tpu.memory_space<hbm>> -> memref<8192xf32, #tpu.memory_space<hbm>>
      tpu.enqueue_dma source(%arg9 : memref<8192xf32, #tpu.memory_space<vmem>>) target(%dma_start3A_61 : memref<8192xf32, #tpu.memory_space<hbm>>) target_semaphore(%arg17 : memref<!tpu.dma_semaphore, #tpu.memory_space<semaphore_mem>>)
      %add3A_62 = arith.constant 1 : i32
      %add3A_63 = arith.addi %add3A_48, %add3A_62 : i32
      %add3A_64 = arith.constant 3 : i32
      %add3A_65 = arith.addi %add3A_63, %add3A_64 : i32
      %lt3A_66 = arith.constant 16 : i32
      %lt3A_67 = arith.cmpi slt, %add3A_65, %lt3A_66 : i32
      %convert_element_type3A_68 = arith.extui %lt3A_67 : i1 to i32
      %cond3A_69 = arith.constant 0 : i32
      %cond3A_70 = arith.cmpi ne, %convert_element_type3A_68, %cond3A_69 : i32
      scf.if %cond3A_70 {
        %mul3A_110 = arith.constant 8192 : i32
        %mul3A_111 = arith.muli %add3A_65, %mul3A_110 : i32
        %add3A_112 = arith.addi %mul3A_2, %mul3A_111 : i32
        "tpu.region"() ({
          %run_scoped3A = tpu.sem_alloc : memref<!tpu.dma_semaphore, #tpu.memory_space<semaphore_mem>>
          %dma_start3A_119 = tpu.memref_slice %arg3[%add3A_112] : memref<4194304xi32, #tpu.memory_space<hbm>> -> memref<8192xi32, #tpu.memory_space<hbm>>
          %dma_start3A_120 = tpu.memref_slice %arg3[%add3A_112] : memref<4194304xi32, #tpu.memory_space<hbm>> -> memref<8192xi32, #tpu.memory_space<hbm>>
          tpu.enqueue_dma source(%dma_start3A_120 : memref<8192xi32, #tpu.memory_space<hbm>>) target(%arg5 : memref<8192xi32, #tpu.memory_space<vmem>>) target_semaphore(%run_scoped3A : memref<!tpu.dma_semaphore, #tpu.memory_space<semaphore_mem>>)
          %dma_wait3A_121 = tpu.memref_slice %arg3[%add3A_112] : memref<4194304xi32, #tpu.memory_space<hbm>> -> memref<8192xi32, #tpu.memory_space<hbm>>
          %dma_wait3A_122 = tpu.memref_slice %arg3[%add3A_112] : memref<4194304xi32, #tpu.memory_space<hbm>> -> memref<8192xi32, #tpu.memory_space<hbm>>
          tpu.wait_dma2 semaphore(%run_scoped3A : memref<!tpu.dma_semaphore, #tpu.memory_space<semaphore_mem>>) src(%dma_wait3A_122 : memref<8192xi32, #tpu.memory_space<hbm>>) dst(%arg5 : memref<8192xi32, #tpu.memory_space<vmem>>)
          tpu.yield
        }) : () -> ()
        %ge3A = arith.constant 4 : i32
        %ge3A_113 = arith.cmpi sge, %add3A_65, %ge3A : i32
        %convert_element_type3A_114 = arith.extui %ge3A_113 : i1 to i32
        %cond3A_115 = arith.constant 0 : i32
        %cond3A_116 = arith.cmpi ne, %convert_element_type3A_114, %cond3A_115 : i32
        scf.if %cond3A_116 {
          %sub3A_119 = arith.constant 4 : i32
          %sub3A_120 = arith.subi %add3A_65, %sub3A_119 : i32
          %mul3A_121 = arith.constant 8192 : i32
          %mul3A_122 = arith.muli %sub3A_120, %mul3A_121 : i32
          %add3A_123 = arith.addi %mul3A_2, %mul3A_122 : i32
          %dma_wait3A_124 = tpu.memref_slice %arg4[%add3A_123] : memref<4194304xf32, #tpu.memory_space<hbm>> -> memref<8192xf32, #tpu.memory_space<hbm>>
          %dma_wait3A_125 = tpu.memref_slice %arg4[%add3A_123] : memref<4194304xf32, #tpu.memory_space<hbm>> -> memref<8192xf32, #tpu.memory_space<hbm>>
          tpu.wait_dma2 semaphore(%arg17 : memref<!tpu.dma_semaphore, #tpu.memory_space<semaphore_mem>>) src(%arg9 : memref<8192xf32, #tpu.memory_space<vmem>>) dst(%dma_wait3A_125 : memref<8192xf32, #tpu.memory_space<hbm>>)
        } else {
        }
        %dma_start3A_117 = arith.constant 0 : i32
        %dma_start3A_118 = tpu.memref_slice %arg2[%dma_start3A_117] : memref<16777216xf32, #tpu.memory_space<hbm>> -> memref<16777216xf32, #tpu.memory_space<hbm>>
        tpu.enqueue_indirect_dma source(%dma_start3A_118 : memref<16777216xf32, #tpu.memory_space<hbm>>) target(%arg9 : memref<8192xf32, #tpu.memory_space<vmem>>) offsets(%arg5 : memref<8192xi32, #tpu.memory_space<vmem>>) semaphore(%arg13 : memref<!tpu.dma_semaphore, #tpu.memory_space<semaphore_mem>>)
      } else {
      }
      %dma_wait3A_71 = arith.constant 0 : i32
      %dma_wait3A_72 = tpu.memref_slice %arg2[%dma_wait3A_71] : memref<16777216xf32, #tpu.memory_space<hbm>> -> memref<16777216xf32, #tpu.memory_space<hbm>>
      tpu.wait_indirect_dma semaphore(%arg14 : memref<!tpu.dma_semaphore, #tpu.memory_space<semaphore_mem>>) src(%dma_wait3A_72 : memref<16777216xf32, #tpu.memory_space<hbm>>) dst(%arg10 : memref<8192xf32, #tpu.memory_space<vmem>>)
      %mul3A_73 = arith.constant 8192 : i32
      %mul3A_74 = arith.muli %add3A_63, %mul3A_73 : i32
      %add3A_75 = arith.addi %mul3A_2, %mul3A_74 : i32
      %dma_start3A_76 = tpu.memref_slice %arg4[%add3A_75] : memref<4194304xf32, #tpu.memory_space<hbm>> -> memref<8192xf32, #tpu.memory_space<hbm>>
      %dma_start3A_77 = tpu.memref_slice %arg4[%add3A_75] : memref<4194304xf32, #tpu.memory_space<hbm>> -> memref<8192xf32, #tpu.memory_space<hbm>>
      tpu.enqueue_dma source(%arg10 : memref<8192xf32, #tpu.memory_space<vmem>>) target(%dma_start3A_77 : memref<8192xf32, #tpu.memory_space<hbm>>) target_semaphore(%arg18 : memref<!tpu.dma_semaphore, #tpu.memory_space<semaphore_mem>>)
      %add3A_78 = arith.constant 2 : i32
      %add3A_79 = arith.addi %add3A_48, %add3A_78 : i32
      %add3A_80 = arith.constant 3 : i32
      %add3A_81 = arith.addi %add3A_79, %add3A_80 : i32
      %lt3A_82 = arith.constant 16 : i32
      %lt3A_83 = arith.cmpi slt, %add3A_81, %lt3A_82 : i32
      %convert_element_type3A_84 = arith.extui %lt3A_83 : i1 to i32
      %cond3A_85 = arith.constant 0 : i32
      %cond3A_86 = arith.cmpi ne, %convert_element_type3A_84, %cond3A_85 : i32
      scf.if %cond3A_86 {
        %mul3A_110 = arith.constant 8192 : i32
        %mul3A_111 = arith.muli %add3A_81, %mul3A_110 : i32
        %add3A_112 = arith.addi %mul3A_2, %mul3A_111 : i32
        "tpu.region"() ({
          %run_scoped3A = tpu.sem_alloc : memref<!tpu.dma_semaphore, #tpu.memory_space<semaphore_mem>>
          %dma_start3A_119 = tpu.memref_slice %arg3[%add3A_112] : memref<4194304xi32, #tpu.memory_space<hbm>> -> memref<8192xi32, #tpu.memory_space<hbm>>
          %dma_start3A_120 = tpu.memref_slice %arg3[%add3A_112] : memref<4194304xi32, #tpu.memory_space<hbm>> -> memref<8192xi32, #tpu.memory_space<hbm>>
          tpu.enqueue_dma source(%dma_start3A_120 : memref<8192xi32, #tpu.memory_space<hbm>>) target(%arg6 : memref<8192xi32, #tpu.memory_space<vmem>>) target_semaphore(%run_scoped3A : memref<!tpu.dma_semaphore, #tpu.memory_space<semaphore_mem>>)
          %dma_wait3A_121 = tpu.memref_slice %arg3[%add3A_112] : memref<4194304xi32, #tpu.memory_space<hbm>> -> memref<8192xi32, #tpu.memory_space<hbm>>
          %dma_wait3A_122 = tpu.memref_slice %arg3[%add3A_112] : memref<4194304xi32, #tpu.memory_space<hbm>> -> memref<8192xi32, #tpu.memory_space<hbm>>
          tpu.wait_dma2 semaphore(%run_scoped3A : memref<!tpu.dma_semaphore, #tpu.memory_space<semaphore_mem>>) src(%dma_wait3A_122 : memref<8192xi32, #tpu.memory_space<hbm>>) dst(%arg6 : memref<8192xi32, #tpu.memory_space<vmem>>)
          tpu.yield
        }) : () -> ()
        %ge3A = arith.constant 4 : i32
        %ge3A_113 = arith.cmpi sge, %add3A_81, %ge3A : i32
        %convert_element_type3A_114 = arith.extui %ge3A_113 : i1 to i32
        %cond3A_115 = arith.constant 0 : i32
        %cond3A_116 = arith.cmpi ne, %convert_element_type3A_114, %cond3A_115 : i32
        scf.if %cond3A_116 {
          %sub3A_119 = arith.constant 4 : i32
          %sub3A_120 = arith.subi %add3A_81, %sub3A_119 : i32
          %mul3A_121 = arith.constant 8192 : i32
          %mul3A_122 = arith.muli %sub3A_120, %mul3A_121 : i32
          %add3A_123 = arith.addi %mul3A_2, %mul3A_122 : i32
          %dma_wait3A_124 = tpu.memref_slice %arg4[%add3A_123] : memref<4194304xf32, #tpu.memory_space<hbm>> -> memref<8192xf32, #tpu.memory_space<hbm>>
          %dma_wait3A_125 = tpu.memref_slice %arg4[%add3A_123] : memref<4194304xf32, #tpu.memory_space<hbm>> -> memref<8192xf32, #tpu.memory_space<hbm>>
          tpu.wait_dma2 semaphore(%arg18 : memref<!tpu.dma_semaphore, #tpu.memory_space<semaphore_mem>>) src(%arg10 : memref<8192xf32, #tpu.memory_space<vmem>>) dst(%dma_wait3A_125 : memref<8192xf32, #tpu.memory_space<hbm>>)
        } else {
        }
        %dma_start3A_117 = arith.constant 0 : i32
        %dma_start3A_118 = tpu.memref_slice %arg2[%dma_start3A_117] : memref<16777216xf32, #tpu.memory_space<hbm>> -> memref<16777216xf32, #tpu.memory_space<hbm>>
        tpu.enqueue_indirect_dma source(%dma_start3A_118 : memref<16777216xf32, #tpu.memory_space<hbm>>) target(%arg10 : memref<8192xf32, #tpu.memory_space<vmem>>) offsets(%arg6 : memref<8192xi32, #tpu.memory_space<vmem>>) semaphore(%arg14 : memref<!tpu.dma_semaphore, #tpu.memory_space<semaphore_mem>>)
      } else {
      }
      %dma_wait3A_87 = arith.constant 0 : i32
      %dma_wait3A_88 = tpu.memref_slice %arg2[%dma_wait3A_87] : memref<16777216xf32, #tpu.memory_space<hbm>> -> memref<16777216xf32, #tpu.memory_space<hbm>>
      tpu.wait_indirect_dma semaphore(%arg15 : memref<!tpu.dma_semaphore, #tpu.memory_space<semaphore_mem>>) src(%dma_wait3A_88 : memref<16777216xf32, #tpu.memory_space<hbm>>) dst(%arg11 : memref<8192xf32, #tpu.memory_space<vmem>>)
      %mul3A_89 = arith.constant 8192 : i32
      %mul3A_90 = arith.muli %add3A_79, %mul3A_89 : i32
      %add3A_91 = arith.addi %mul3A_2, %mul3A_90 : i32
      %dma_start3A_92 = tpu.memref_slice %arg4[%add3A_91] : memref<4194304xf32, #tpu.memory_space<hbm>> -> memref<8192xf32, #tpu.memory_space<hbm>>
      %dma_start3A_93 = tpu.memref_slice %arg4[%add3A_91] : memref<4194304xf32, #tpu.memory_space<hbm>> -> memref<8192xf32, #tpu.memory_space<hbm>>
      tpu.enqueue_dma source(%arg11 : memref<8192xf32, #tpu.memory_space<vmem>>) target(%dma_start3A_93 : memref<8192xf32, #tpu.memory_space<hbm>>) target_semaphore(%arg19 : memref<!tpu.dma_semaphore, #tpu.memory_space<semaphore_mem>>)
      %add3A_94 = arith.constant 3 : i32
      %add3A_95 = arith.addi %add3A_48, %add3A_94 : i32
      %add3A_96 = arith.constant 3 : i32
      %add3A_97 = arith.addi %add3A_95, %add3A_96 : i32
      %lt3A_98 = arith.constant 16 : i32
      %lt3A_99 = arith.cmpi slt, %add3A_97, %lt3A_98 : i32
      %convert_element_type3A_100 = arith.extui %lt3A_99 : i1 to i32
      %cond3A_101 = arith.constant 0 : i32
      %cond3A_102 = arith.cmpi ne, %convert_element_type3A_100, %cond3A_101 : i32
      scf.if %cond3A_102 {
        %mul3A_110 = arith.constant 8192 : i32
        %mul3A_111 = arith.muli %add3A_97, %mul3A_110 : i32
        %add3A_112 = arith.addi %mul3A_2, %mul3A_111 : i32
        "tpu.region"() ({
          %run_scoped3A = tpu.sem_alloc : memref<!tpu.dma_semaphore, #tpu.memory_space<semaphore_mem>>
          %dma_start3A_119 = tpu.memref_slice %arg3[%add3A_112] : memref<4194304xi32, #tpu.memory_space<hbm>> -> memref<8192xi32, #tpu.memory_space<hbm>>
          %dma_start3A_120 = tpu.memref_slice %arg3[%add3A_112] : memref<4194304xi32, #tpu.memory_space<hbm>> -> memref<8192xi32, #tpu.memory_space<hbm>>
          tpu.enqueue_dma source(%dma_start3A_120 : memref<8192xi32, #tpu.memory_space<hbm>>) target(%arg7 : memref<8192xi32, #tpu.memory_space<vmem>>) target_semaphore(%run_scoped3A : memref<!tpu.dma_semaphore, #tpu.memory_space<semaphore_mem>>)
          %dma_wait3A_121 = tpu.memref_slice %arg3[%add3A_112] : memref<4194304xi32, #tpu.memory_space<hbm>> -> memref<8192xi32, #tpu.memory_space<hbm>>
          %dma_wait3A_122 = tpu.memref_slice %arg3[%add3A_112] : memref<4194304xi32, #tpu.memory_space<hbm>> -> memref<8192xi32, #tpu.memory_space<hbm>>
          tpu.wait_dma2 semaphore(%run_scoped3A : memref<!tpu.dma_semaphore, #tpu.memory_space<semaphore_mem>>) src(%dma_wait3A_122 : memref<8192xi32, #tpu.memory_space<hbm>>) dst(%arg7 : memref<8192xi32, #tpu.memory_space<vmem>>)
          tpu.yield
        }) : () -> ()
        %ge3A = arith.constant 4 : i32
        %ge3A_113 = arith.cmpi sge, %add3A_97, %ge3A : i32
        %convert_element_type3A_114 = arith.extui %ge3A_113 : i1 to i32
        %cond3A_115 = arith.constant 0 : i32
        %cond3A_116 = arith.cmpi ne, %convert_element_type3A_114, %cond3A_115 : i32
        scf.if %cond3A_116 {
          %sub3A_119 = arith.constant 4 : i32
          %sub3A_120 = arith.subi %add3A_97, %sub3A_119 : i32
          %mul3A_121 = arith.constant 8192 : i32
          %mul3A_122 = arith.muli %sub3A_120, %mul3A_121 : i32
          %add3A_123 = arith.addi %mul3A_2, %mul3A_122 : i32
          %dma_wait3A_124 = tpu.memref_slice %arg4[%add3A_123] : memref<4194304xf32, #tpu.memory_space<hbm>> -> memref<8192xf32, #tpu.memory_space<hbm>>
          %dma_wait3A_125 = tpu.memref_slice %arg4[%add3A_123] : memref<4194304xf32, #tpu.memory_space<hbm>> -> memref<8192xf32, #tpu.memory_space<hbm>>
          tpu.wait_dma2 semaphore(%arg19 : memref<!tpu.dma_semaphore, #tpu.memory_space<semaphore_mem>>) src(%arg11 : memref<8192xf32, #tpu.memory_space<vmem>>) dst(%dma_wait3A_125 : memref<8192xf32, #tpu.memory_space<hbm>>)
        } else {
        }
        %dma_start3A_117 = arith.constant 0 : i32
        %dma_start3A_118 = tpu.memref_slice %arg2[%dma_start3A_117] : memref<16777216xf32, #tpu.memory_space<hbm>> -> memref<16777216xf32, #tpu.memory_space<hbm>>
        tpu.enqueue_indirect_dma source(%dma_start3A_118 : memref<16777216xf32, #tpu.memory_space<hbm>>) target(%arg11 : memref<8192xf32, #tpu.memory_space<vmem>>) offsets(%arg7 : memref<8192xi32, #tpu.memory_space<vmem>>) semaphore(%arg15 : memref<!tpu.dma_semaphore, #tpu.memory_space<semaphore_mem>>)
      } else {
      }
      %dma_wait3A_103 = arith.constant 0 : i32
      %dma_wait3A_104 = tpu.memref_slice %arg2[%dma_wait3A_103] : memref<16777216xf32, #tpu.memory_space<hbm>> -> memref<16777216xf32, #tpu.memory_space<hbm>>
      tpu.wait_indirect_dma semaphore(%arg16 : memref<!tpu.dma_semaphore, #tpu.memory_space<semaphore_mem>>) src(%dma_wait3A_104 : memref<16777216xf32, #tpu.memory_space<hbm>>) dst(%arg12 : memref<8192xf32, #tpu.memory_space<vmem>>)
      %mul3A_105 = arith.constant 8192 : i32
      %mul3A_106 = arith.muli %add3A_95, %mul3A_105 : i32
      %add3A_107 = arith.addi %mul3A_2, %mul3A_106 : i32
      %dma_start3A_108 = tpu.memref_slice %arg4[%add3A_107] : memref<4194304xf32, #tpu.memory_space<hbm>> -> memref<8192xf32, #tpu.memory_space<hbm>>
      %dma_start3A_109 = tpu.memref_slice %arg4[%add3A_107] : memref<4194304xf32, #tpu.memory_space<hbm>> -> memref<8192xf32, #tpu.memory_space<hbm>>
      tpu.enqueue_dma source(%arg12 : memref<8192xf32, #tpu.memory_space<vmem>>) target(%dma_start3A_109 : memref<8192xf32, #tpu.memory_space<hbm>>) target_semaphore(%arg20 : memref<!tpu.dma_semaphore, #tpu.memory_space<semaphore_mem>>)
    }
    %while3A_30 = arith.constant 1 : i32
    scf.for %while3A_46 = %while3A_28 to %while3A_24 step %while3A_30  : i32 {
      %mul3A_47 = arith.muli %while3A_46, %while3A : i32
      %add3A_48 = arith.addi %while3A_21, %mul3A_47 : i32
      %add3A_49 = arith.constant 0 : i32
      %add3A_50 = arith.addi %add3A_48, %add3A_49 : i32
      %add3A_51 = arith.constant 3 : i32
      %add3A_52 = arith.addi %add3A_50, %add3A_51 : i32
      %lt3A = arith.constant 16 : i32
      %lt3A_53 = arith.cmpi slt, %add3A_52, %lt3A : i32
      %convert_element_type3A = arith.extui %lt3A_53 : i1 to i32
      %cond3A = arith.constant 0 : i32
      %cond3A_54 = arith.cmpi ne, %convert_element_type3A, %cond3A : i32
      scf.if %cond3A_54 {
        %mul3A_110 = arith.constant 8192 : i32
        %mul3A_111 = arith.muli %add3A_52, %mul3A_110 : i32
        %add3A_112 = arith.addi %mul3A_2, %mul3A_111 : i32
        "tpu.region"() ({
          %run_scoped3A = tpu.sem_alloc : memref<!tpu.dma_semaphore, #tpu.memory_space<semaphore_mem>>
          %dma_start3A_119 = tpu.memref_slice %arg3[%add3A_112] : memref<4194304xi32, #tpu.memory_space<hbm>> -> memref<8192xi32, #tpu.memory_space<hbm>>
          %dma_start3A_120 = tpu.memref_slice %arg3[%add3A_112] : memref<4194304xi32, #tpu.memory_space<hbm>> -> memref<8192xi32, #tpu.memory_space<hbm>>
          tpu.enqueue_dma source(%dma_start3A_120 : memref<8192xi32, #tpu.memory_space<hbm>>) target(%arg8 : memref<8192xi32, #tpu.memory_space<vmem>>) target_semaphore(%run_scoped3A : memref<!tpu.dma_semaphore, #tpu.memory_space<semaphore_mem>>)
          %dma_wait3A_121 = tpu.memref_slice %arg3[%add3A_112] : memref<4194304xi32, #tpu.memory_space<hbm>> -> memref<8192xi32, #tpu.memory_space<hbm>>
          %dma_wait3A_122 = tpu.memref_slice %arg3[%add3A_112] : memref<4194304xi32, #tpu.memory_space<hbm>> -> memref<8192xi32, #tpu.memory_space<hbm>>
          tpu.wait_dma2 semaphore(%run_scoped3A : memref<!tpu.dma_semaphore, #tpu.memory_space<semaphore_mem>>) src(%dma_wait3A_122 : memref<8192xi32, #tpu.memory_space<hbm>>) dst(%arg8 : memref<8192xi32, #tpu.memory_space<vmem>>)
          tpu.yield
        }) : () -> ()
        %ge3A = arith.constant 4 : i32
        %ge3A_113 = arith.cmpi sge, %add3A_52, %ge3A : i32
        %convert_element_type3A_114 = arith.extui %ge3A_113 : i1 to i32
        %cond3A_115 = arith.constant 0 : i32
        %cond3A_116 = arith.cmpi ne, %convert_element_type3A_114, %cond3A_115 : i32
        scf.if %cond3A_116 {
          %sub3A_119 = arith.constant 4 : i32
          %sub3A_120 = arith.subi %add3A_52, %sub3A_119 : i32
          %mul3A_121 = arith.constant 8192 : i32
          %mul3A_122 = arith.muli %sub3A_120, %mul3A_121 : i32
          %add3A_123 = arith.addi %mul3A_2, %mul3A_122 : i32
          %dma_wait3A_124 = tpu.memref_slice %arg4[%add3A_123] : memref<4194304xf32, #tpu.memory_space<hbm>> -> memref<8192xf32, #tpu.memory_space<hbm>>
          %dma_wait3A_125 = tpu.memref_slice %arg4[%add3A_123] : memref<4194304xf32, #tpu.memory_space<hbm>> -> memref<8192xf32, #tpu.memory_space<hbm>>
          tpu.wait_dma2 semaphore(%arg20 : memref<!tpu.dma_semaphore, #tpu.memory_space<semaphore_mem>>) src(%arg12 : memref<8192xf32, #tpu.memory_space<vmem>>) dst(%dma_wait3A_125 : memref<8192xf32, #tpu.memory_space<hbm>>)
        } else {
        }
        %dma_start3A_117 = arith.constant 0 : i32
        %dma_start3A_118 = tpu.memref_slice %arg2[%dma_start3A_117] : memref<16777216xf32, #tpu.memory_space<hbm>> -> memref<16777216xf32, #tpu.memory_space<hbm>>
        tpu.enqueue_indirect_dma source(%dma_start3A_118 : memref<16777216xf32, #tpu.memory_space<hbm>>) target(%arg12 : memref<8192xf32, #tpu.memory_space<vmem>>) offsets(%arg8 : memref<8192xi32, #tpu.memory_space<vmem>>) semaphore(%arg16 : memref<!tpu.dma_semaphore, #tpu.memory_space<semaphore_mem>>)
      } else {
      }
      %dma_wait3A_55 = arith.constant 0 : i32
      %dma_wait3A_56 = tpu.memref_slice %arg2[%dma_wait3A_55] : memref<16777216xf32, #tpu.memory_space<hbm>> -> memref<16777216xf32, #tpu.memory_space<hbm>>
      tpu.wait_indirect_dma semaphore(%arg13 : memref<!tpu.dma_semaphore, #tpu.memory_space<semaphore_mem>>) src(%dma_wait3A_56 : memref<16777216xf32, #tpu.memory_space<hbm>>) dst(%arg9 : memref<8192xf32, #tpu.memory_space<vmem>>)
      %mul3A_57 = arith.constant 8192 : i32
      %mul3A_58 = arith.muli %add3A_50, %mul3A_57 : i32
      %add3A_59 = arith.addi %mul3A_2, %mul3A_58 : i32
      %dma_start3A_60 = tpu.memref_slice %arg4[%add3A_59] : memref<4194304xf32, #tpu.memory_space<hbm>> -> memref<8192xf32, #tpu.memory_space<hbm>>
      %dma_start3A_61 = tpu.memref_slice %arg4[%add3A_59] : memref<4194304xf32, #tpu.memory_space<hbm>> -> memref<8192xf32, #tpu.memory_space<hbm>>
      tpu.enqueue_dma source(%arg9 : memref<8192xf32, #tpu.memory_space<vmem>>) target(%dma_start3A_61 : memref<8192xf32, #tpu.memory_space<hbm>>) target_semaphore(%arg17 : memref<!tpu.dma_semaphore, #tpu.memory_space<semaphore_mem>>)
      %add3A_62 = arith.constant 1 : i32
      %add3A_63 = arith.addi %add3A_48, %add3A_62 : i32
      %add3A_64 = arith.constant 3 : i32
      %add3A_65 = arith.addi %add3A_63, %add3A_64 : i32
      %lt3A_66 = arith.constant 16 : i32
      %lt3A_67 = arith.cmpi slt, %add3A_65, %lt3A_66 : i32
      %convert_element_type3A_68 = arith.extui %lt3A_67 : i1 to i32
      %cond3A_69 = arith.constant 0 : i32
      %cond3A_70 = arith.cmpi ne, %convert_element_type3A_68, %cond3A_69 : i32
      scf.if %cond3A_70 {
        %mul3A_110 = arith.constant 8192 : i32
        %mul3A_111 = arith.muli %add3A_65, %mul3A_110 : i32
        %add3A_112 = arith.addi %mul3A_2, %mul3A_111 : i32
        "tpu.region"() ({
          %run_scoped3A = tpu.sem_alloc : memref<!tpu.dma_semaphore, #tpu.memory_space<semaphore_mem>>
          %dma_start3A_119 = tpu.memref_slice %arg3[%add3A_112] : memref<4194304xi32, #tpu.memory_space<hbm>> -> memref<8192xi32, #tpu.memory_space<hbm>>
          %dma_start3A_120 = tpu.memref_slice %arg3[%add3A_112] : memref<4194304xi32, #tpu.memory_space<hbm>> -> memref<8192xi32, #tpu.memory_space<hbm>>
          tpu.enqueue_dma source(%dma_start3A_120 : memref<8192xi32, #tpu.memory_space<hbm>>) target(%arg5 : memref<8192xi32, #tpu.memory_space<vmem>>) target_semaphore(%run_scoped3A : memref<!tpu.dma_semaphore, #tpu.memory_space<semaphore_mem>>)
          %dma_wait3A_121 = tpu.memref_slice %arg3[%add3A_112] : memref<4194304xi32, #tpu.memory_space<hbm>> -> memref<8192xi32, #tpu.memory_space<hbm>>
          %dma_wait3A_122 = tpu.memref_slice %arg3[%add3A_112] : memref<4194304xi32, #tpu.memory_space<hbm>> -> memref<8192xi32, #tpu.memory_space<hbm>>
          tpu.wait_dma2 semaphore(%run_scoped3A : memref<!tpu.dma_semaphore, #tpu.memory_space<semaphore_mem>>) src(%dma_wait3A_122 : memref<8192xi32, #tpu.memory_space<hbm>>) dst(%arg5 : memref<8192xi32, #tpu.memory_space<vmem>>)
          tpu.yield
        }) : () -> ()
        %ge3A = arith.constant 4 : i32
        %ge3A_113 = arith.cmpi sge, %add3A_65, %ge3A : i32
        %convert_element_type3A_114 = arith.extui %ge3A_113 : i1 to i32
        %cond3A_115 = arith.constant 0 : i32
        %cond3A_116 = arith.cmpi ne, %convert_element_type3A_114, %cond3A_115 : i32
        scf.if %cond3A_116 {
          %sub3A_119 = arith.constant 4 : i32
          %sub3A_120 = arith.subi %add3A_65, %sub3A_119 : i32
          %mul3A_121 = arith.constant 8192 : i32
          %mul3A_122 = arith.muli %sub3A_120, %mul3A_121 : i32
          %add3A_123 = arith.addi %mul3A_2, %mul3A_122 : i32
          %dma_wait3A_124 = tpu.memref_slice %arg4[%add3A_123] : memref<4194304xf32, #tpu.memory_space<hbm>> -> memref<8192xf32, #tpu.memory_space<hbm>>
          %dma_wait3A_125 = tpu.memref_slice %arg4[%add3A_123] : memref<4194304xf32, #tpu.memory_space<hbm>> -> memref<8192xf32, #tpu.memory_space<hbm>>
          tpu.wait_dma2 semaphore(%arg17 : memref<!tpu.dma_semaphore, #tpu.memory_space<semaphore_mem>>) src(%arg9 : memref<8192xf32, #tpu.memory_space<vmem>>) dst(%dma_wait3A_125 : memref<8192xf32, #tpu.memory_space<hbm>>)
        } else {
        }
        %dma_start3A_117 = arith.constant 0 : i32
        %dma_start3A_118 = tpu.memref_slice %arg2[%dma_start3A_117] : memref<16777216xf32, #tpu.memory_space<hbm>> -> memref<16777216xf32, #tpu.memory_space<hbm>>
        tpu.enqueue_indirect_dma source(%dma_start3A_118 : memref<16777216xf32, #tpu.memory_space<hbm>>) target(%arg9 : memref<8192xf32, #tpu.memory_space<vmem>>) offsets(%arg5 : memref<8192xi32, #tpu.memory_space<vmem>>) semaphore(%arg13 : memref<!tpu.dma_semaphore, #tpu.memory_space<semaphore_mem>>)
      } else {
      }
      %dma_wait3A_71 = arith.constant 0 : i32
      %dma_wait3A_72 = tpu.memref_slice %arg2[%dma_wait3A_71] : memref<16777216xf32, #tpu.memory_space<hbm>> -> memref<16777216xf32, #tpu.memory_space<hbm>>
      tpu.wait_indirect_dma semaphore(%arg14 : memref<!tpu.dma_semaphore, #tpu.memory_space<semaphore_mem>>) src(%dma_wait3A_72 : memref<16777216xf32, #tpu.memory_space<hbm>>) dst(%arg10 : memref<8192xf32, #tpu.memory_space<vmem>>)
      %mul3A_73 = arith.constant 8192 : i32
      %mul3A_74 = arith.muli %add3A_63, %mul3A_73 : i32
      %add3A_75 = arith.addi %mul3A_2, %mul3A_74 : i32
      %dma_start3A_76 = tpu.memref_slice %arg4[%add3A_75] : memref<4194304xf32, #tpu.memory_space<hbm>> -> memref<8192xf32, #tpu.memory_space<hbm>>
      %dma_start3A_77 = tpu.memref_slice %arg4[%add3A_75] : memref<4194304xf32, #tpu.memory_space<hbm>> -> memref<8192xf32, #tpu.memory_space<hbm>>
      tpu.enqueue_dma source(%arg10 : memref<8192xf32, #tpu.memory_space<vmem>>) target(%dma_start3A_77 : memref<8192xf32, #tpu.memory_space<hbm>>) target_semaphore(%arg18 : memref<!tpu.dma_semaphore, #tpu.memory_space<semaphore_mem>>)
      %add3A_78 = arith.constant 2 : i32
      %add3A_79 = arith.addi %add3A_48, %add3A_78 : i32
      %add3A_80 = arith.constant 3 : i32
      %add3A_81 = arith.addi %add3A_79, %add3A_80 : i32
      %lt3A_82 = arith.constant 16 : i32
      %lt3A_83 = arith.cmpi slt, %add3A_81, %lt3A_82 : i32
      %convert_element_type3A_84 = arith.extui %lt3A_83 : i1 to i32
      %cond3A_85 = arith.constant 0 : i32
      %cond3A_86 = arith.cmpi ne, %convert_element_type3A_84, %cond3A_85 : i32
      scf.if %cond3A_86 {
        %mul3A_110 = arith.constant 8192 : i32
        %mul3A_111 = arith.muli %add3A_81, %mul3A_110 : i32
        %add3A_112 = arith.addi %mul3A_2, %mul3A_111 : i32
        "tpu.region"() ({
          %run_scoped3A = tpu.sem_alloc : memref<!tpu.dma_semaphore, #tpu.memory_space<semaphore_mem>>
          %dma_start3A_119 = tpu.memref_slice %arg3[%add3A_112] : memref<4194304xi32, #tpu.memory_space<hbm>> -> memref<8192xi32, #tpu.memory_space<hbm>>
          %dma_start3A_120 = tpu.memref_slice %arg3[%add3A_112] : memref<4194304xi32, #tpu.memory_space<hbm>> -> memref<8192xi32, #tpu.memory_space<hbm>>
          tpu.enqueue_dma source(%dma_start3A_120 : memref<8192xi32, #tpu.memory_space<hbm>>) target(%arg6 : memref<8192xi32, #tpu.memory_space<vmem>>) target_semaphore(%run_scoped3A : memref<!tpu.dma_semaphore, #tpu.memory_space<semaphore_mem>>)
          %dma_wait3A_121 = tpu.memref_slice %arg3[%add3A_112] : memref<4194304xi32, #tpu.memory_space<hbm>> -> memref<8192xi32, #tpu.memory_space<hbm>>
          %dma_wait3A_122 = tpu.memref_slice %arg3[%add3A_112] : memref<4194304xi32, #tpu.memory_space<hbm>> -> memref<8192xi32, #tpu.memory_space<hbm>>
          tpu.wait_dma2 semaphore(%run_scoped3A : memref<!tpu.dma_semaphore, #tpu.memory_space<semaphore_mem>>) src(%dma_wait3A_122 : memref<8192xi32, #tpu.memory_space<hbm>>) dst(%arg6 : memref<8192xi32, #tpu.memory_space<vmem>>)
          tpu.yield
        }) : () -> ()
        %ge3A = arith.constant 4 : i32
        %ge3A_113 = arith.cmpi sge, %add3A_81, %ge3A : i32
        %convert_element_type3A_114 = arith.extui %ge3A_113 : i1 to i32
        %cond3A_115 = arith.constant 0 : i32
        %cond3A_116 = arith.cmpi ne, %convert_element_type3A_114, %cond3A_115 : i32
        scf.if %cond3A_116 {
          %sub3A_119 = arith.constant 4 : i32
          %sub3A_120 = arith.subi %add3A_81, %sub3A_119 : i32
          %mul3A_121 = arith.constant 8192 : i32
          %mul3A_122 = arith.muli %sub3A_120, %mul3A_121 : i32
          %add3A_123 = arith.addi %mul3A_2, %mul3A_122 : i32
          %dma_wait3A_124 = tpu.memref_slice %arg4[%add3A_123] : memref<4194304xf32, #tpu.memory_space<hbm>> -> memref<8192xf32, #tpu.memory_space<hbm>>
          %dma_wait3A_125 = tpu.memref_slice %arg4[%add3A_123] : memref<4194304xf32, #tpu.memory_space<hbm>> -> memref<8192xf32, #tpu.memory_space<hbm>>
          tpu.wait_dma2 semaphore(%arg18 : memref<!tpu.dma_semaphore, #tpu.memory_space<semaphore_mem>>) src(%arg10 : memref<8192xf32, #tpu.memory_space<vmem>>) dst(%dma_wait3A_125 : memref<8192xf32, #tpu.memory_space<hbm>>)
        } else {
        }
        %dma_start3A_117 = arith.constant 0 : i32
        %dma_start3A_118 = tpu.memref_slice %arg2[%dma_start3A_117] : memref<16777216xf32, #tpu.memory_space<hbm>> -> memref<16777216xf32, #tpu.memory_space<hbm>>
        tpu.enqueue_indirect_dma source(%dma_start3A_118 : memref<16777216xf32, #tpu.memory_space<hbm>>) target(%arg10 : memref<8192xf32, #tpu.memory_space<vmem>>) offsets(%arg6 : memref<8192xi32, #tpu.memory_space<vmem>>) semaphore(%arg14 : memref<!tpu.dma_semaphore, #tpu.memory_space<semaphore_mem>>)
      } else {
      }
      %dma_wait3A_87 = arith.constant 0 : i32
      %dma_wait3A_88 = tpu.memref_slice %arg2[%dma_wait3A_87] : memref<16777216xf32, #tpu.memory_space<hbm>> -> memref<16777216xf32, #tpu.memory_space<hbm>>
      tpu.wait_indirect_dma semaphore(%arg15 : memref<!tpu.dma_semaphore, #tpu.memory_space<semaphore_mem>>) src(%dma_wait3A_88 : memref<16777216xf32, #tpu.memory_space<hbm>>) dst(%arg11 : memref<8192xf32, #tpu.memory_space<vmem>>)
      %mul3A_89 = arith.constant 8192 : i32
      %mul3A_90 = arith.muli %add3A_79, %mul3A_89 : i32
      %add3A_91 = arith.addi %mul3A_2, %mul3A_90 : i32
      %dma_start3A_92 = tpu.memref_slice %arg4[%add3A_91] : memref<4194304xf32, #tpu.memory_space<hbm>> -> memref<8192xf32, #tpu.memory_space<hbm>>
      %dma_start3A_93 = tpu.memref_slice %arg4[%add3A_91] : memref<4194304xf32, #tpu.memory_space<hbm>> -> memref<8192xf32, #tpu.memory_space<hbm>>
      tpu.enqueue_dma source(%arg11 : memref<8192xf32, #tpu.memory_space<vmem>>) target(%dma_start3A_93 : memref<8192xf32, #tpu.memory_space<hbm>>) target_semaphore(%arg19 : memref<!tpu.dma_semaphore, #tpu.memory_space<semaphore_mem>>)
      %add3A_94 = arith.constant 3 : i32
      %add3A_95 = arith.addi %add3A_48, %add3A_94 : i32
      %add3A_96 = arith.constant 3 : i32
      %add3A_97 = arith.addi %add3A_95, %add3A_96 : i32
      %lt3A_98 = arith.constant 16 : i32
      %lt3A_99 = arith.cmpi slt, %add3A_97, %lt3A_98 : i32
      %convert_element_type3A_100 = arith.extui %lt3A_99 : i1 to i32
      %cond3A_101 = arith.constant 0 : i32
      %cond3A_102 = arith.cmpi ne, %convert_element_type3A_100, %cond3A_101 : i32
      scf.if %cond3A_102 {
        %mul3A_110 = arith.constant 8192 : i32
        %mul3A_111 = arith.muli %add3A_97, %mul3A_110 : i32
        %add3A_112 = arith.addi %mul3A_2, %mul3A_111 : i32
        "tpu.region"() ({
          %run_scoped3A = tpu.sem_alloc : memref<!tpu.dma_semaphore, #tpu.memory_space<semaphore_mem>>
          %dma_start3A_119 = tpu.memref_slice %arg3[%add3A_112] : memref<4194304xi32, #tpu.memory_space<hbm>> -> memref<8192xi32, #tpu.memory_space<hbm>>
          %dma_start3A_120 = tpu.memref_slice %arg3[%add3A_112] : memref<4194304xi32, #tpu.memory_space<hbm>> -> memref<8192xi32, #tpu.memory_space<hbm>>
          tpu.enqueue_dma source(%dma_start3A_120 : memref<8192xi32, #tpu.memory_space<hbm>>) target(%arg7 : memref<8192xi32, #tpu.memory_space<vmem>>) target_semaphore(%run_scoped3A : memref<!tpu.dma_semaphore, #tpu.memory_space<semaphore_mem>>)
          %dma_wait3A_121 = tpu.memref_slice %arg3[%add3A_112] : memref<4194304xi32, #tpu.memory_space<hbm>> -> memref<8192xi32, #tpu.memory_space<hbm>>
          %dma_wait3A_122 = tpu.memref_slice %arg3[%add3A_112] : memref<4194304xi32, #tpu.memory_space<hbm>> -> memref<8192xi32, #tpu.memory_space<hbm>>
          tpu.wait_dma2 semaphore(%run_scoped3A : memref<!tpu.dma_semaphore, #tpu.memory_space<semaphore_mem>>) src(%dma_wait3A_122 : memref<8192xi32, #tpu.memory_space<hbm>>) dst(%arg7 : memref<8192xi32, #tpu.memory_space<vmem>>)
          tpu.yield
        }) : () -> ()
        %ge3A = arith.constant 4 : i32
        %ge3A_113 = arith.cmpi sge, %add3A_97, %ge3A : i32
        %convert_element_type3A_114 = arith.extui %ge3A_113 : i1 to i32
        %cond3A_115 = arith.constant 0 : i32
        %cond3A_116 = arith.cmpi ne, %convert_element_type3A_114, %cond3A_115 : i32
        scf.if %cond3A_116 {
          %sub3A_119 = arith.constant 4 : i32
          %sub3A_120 = arith.subi %add3A_97, %sub3A_119 : i32
          %mul3A_121 = arith.constant 8192 : i32
          %mul3A_122 = arith.muli %sub3A_120, %mul3A_121 : i32
          %add3A_123 = arith.addi %mul3A_2, %mul3A_122 : i32
          %dma_wait3A_124 = tpu.memref_slice %arg4[%add3A_123] : memref<4194304xf32, #tpu.memory_space<hbm>> -> memref<8192xf32, #tpu.memory_space<hbm>>
          %dma_wait3A_125 = tpu.memref_slice %arg4[%add3A_123] : memref<4194304xf32, #tpu.memory_space<hbm>> -> memref<8192xf32, #tpu.memory_space<hbm>>
          tpu.wait_dma2 semaphore(%arg19 : memref<!tpu.dma_semaphore, #tpu.memory_space<semaphore_mem>>) src(%arg11 : memref<8192xf32, #tpu.memory_space<vmem>>) dst(%dma_wait3A_125 : memref<8192xf32, #tpu.memory_space<hbm>>)
        } else {
        }
        %dma_start3A_117 = arith.constant 0 : i32
        %dma_start3A_118 = tpu.memref_slice %arg2[%dma_start3A_117] : memref<16777216xf32, #tpu.memory_space<hbm>> -> memref<16777216xf32, #tpu.memory_space<hbm>>
        tpu.enqueue_indirect_dma source(%dma_start3A_118 : memref<16777216xf32, #tpu.memory_space<hbm>>) target(%arg11 : memref<8192xf32, #tpu.memory_space<vmem>>) offsets(%arg7 : memref<8192xi32, #tpu.memory_space<vmem>>) semaphore(%arg15 : memref<!tpu.dma_semaphore, #tpu.memory_space<semaphore_mem>>)
      } else {
      }
      %dma_wait3A_103 = arith.constant 0 : i32
      %dma_wait3A_104 = tpu.memref_slice %arg2[%dma_wait3A_103] : memref<16777216xf32, #tpu.memory_space<hbm>> -> memref<16777216xf32, #tpu.memory_space<hbm>>
      tpu.wait_indirect_dma semaphore(%arg16 : memref<!tpu.dma_semaphore, #tpu.memory_space<semaphore_mem>>) src(%dma_wait3A_104 : memref<16777216xf32, #tpu.memory_space<hbm>>) dst(%arg12 : memref<8192xf32, #tpu.memory_space<vmem>>)
      %mul3A_105 = arith.constant 8192 : i32
      %mul3A_106 = arith.muli %add3A_95, %mul3A_105 : i32
      %add3A_107 = arith.addi %mul3A_2, %mul3A_106 : i32
      %dma_start3A_108 = tpu.memref_slice %arg4[%add3A_107] : memref<4194304xf32, #tpu.memory_space<hbm>> -> memref<8192xf32, #tpu.memory_space<hbm>>
      %dma_start3A_109 = tpu.memref_slice %arg4[%add3A_107] : memref<4194304xf32, #tpu.memory_space<hbm>> -> memref<8192xf32, #tpu.memory_space<hbm>>
      tpu.enqueue_dma source(%arg12 : memref<8192xf32, #tpu.memory_space<vmem>>) target(%dma_start3A_109 : memref<8192xf32, #tpu.memory_space<hbm>>) target_semaphore(%arg20 : memref<!tpu.dma_semaphore, #tpu.memory_space<semaphore_mem>>)
    }
    %add3A_31 = arith.constant 98304 : i32
    %add3A_32 = arith.addi %mul3A_2, %add3A_31 : i32
    %dma_wait3A = tpu.memref_slice %arg4[%add3A_32] : memref<4194304xf32, #tpu.memory_space<hbm>> -> memref<8192xf32, #tpu.memory_space<hbm>>
    %dma_wait3A_33 = tpu.memref_slice %arg4[%add3A_32] : memref<4194304xf32, #tpu.memory_space<hbm>> -> memref<8192xf32, #tpu.memory_space<hbm>>
    tpu.wait_dma2 semaphore(%arg17 : memref<!tpu.dma_semaphore, #tpu.memory_space<semaphore_mem>>) src(%arg9 : memref<8192xf32, #tpu.memory_space<vmem>>) dst(%dma_wait3A_33 : memref<8192xf32, #tpu.memory_space<hbm>>)
    %add3A_34 = arith.constant 106496 : i32
    %add3A_35 = arith.addi %mul3A_2, %add3A_34 : i32
    %dma_wait3A_36 = tpu.memref_slice %arg4[%add3A_35] : memref<4194304xf32, #tpu.memory_space<hbm>> -> memref<8192xf32, #tpu.memory_space<hbm>>
    %dma_wait3A_37 = tpu.memref_slice %arg4[%add3A_35] : memref<4194304xf32, #tpu.memory_space<hbm>> -> memref<8192xf32, #tpu.memory_space<hbm>>
    tpu.wait_dma2 semaphore(%arg18 : memref<!tpu.dma_semaphore, #tpu.memory_space<semaphore_mem>>) src(%arg10 : memref<8192xf32, #tpu.memory_space<vmem>>) dst(%dma_wait3A_37 : memref<8192xf32, #tpu.memory_space<hbm>>)
    %add3A_38 = arith.constant 114688 : i32
    %add3A_39 = arith.addi %mul3A_2, %add3A_38 : i32
    %dma_wait3A_40 = tpu.memref_slice %arg4[%add3A_39] : memref<4194304xf32, #tpu.memory_space<hbm>> -> memref<8192xf32, #tpu.memory_space<hbm>>
    %dma_wait3A_41 = tpu.memref_slice %arg4[%add3A_39] : memref<4194304xf32, #tpu.memory_space<hbm>> -> memref<8192xf32, #tpu.memory_space<hbm>>
    tpu.wait_dma2 semaphore(%arg19 : memref<!tpu.dma_semaphore, #tpu.memory_space<semaphore_mem>>) src(%arg11 : memref<8192xf32, #tpu.memory_space<vmem>>) dst(%dma_wait3A_41 : memref<8192xf32, #tpu.memory_space<hbm>>)
    %add3A_42 = arith.constant 122880 : i32
    %add3A_43 = arith.addi %mul3A_2, %add3A_42 : i32
    %dma_wait3A_44 = tpu.memref_slice %arg4[%add3A_43] : memref<4194304xf32, #tpu.memory_space<hbm>> -> memref<8192xf32, #tpu.memory_space<hbm>>
    %dma_wait3A_45 = tpu.memref_slice %arg4[%add3A_43] : memref<4194304xf32, #tpu.memory_space<hbm>> -> memref<8192xf32, #tpu.memory_space<hbm>>
    tpu.wait_dma2 semaphore(%arg20 : memref<!tpu.dma_semaphore, #tpu.memory_space<semaphore_mem>>) src(%arg12 : memref<8192xf32, #tpu.memory_space<vmem>>) dst(%dma_wait3A_45 : memref<8192xf32, #tpu.memory_space<hbm>>)
    return
  }
}

module attributes {stable_mosaic.version = 14 : i64} {
  func.func @_hash_body(%arg0: i32, %arg1: memref<3x8192xf32, #tpu.memory_space<vmem>>, %arg2: memref<32x1xf32, #tpu.memory_space<vmem>>, %arg3: memref<32x8192xi32, #tpu.memory_space<vmem>>) attributes {dimension_semantics = [#tpu.dimension_semantics<arbitrary>], iteration_bounds = array<i64: 16>, scalar_prefetch = 0 : i64, scratch_operands = 0 : i64, tpu.core_type = #tpu.core_type<tc>, window_params = [{transform_indices = @transform_0, window_bounds = array<i64: 3, 8192>}, {transform_indices = @transform_1, window_bounds = array<i64: 32, 1>}, {transform_indices = @transform_2, window_bounds = array<i64: 32, 8192>}]} {
    %get3A = arith.constant 0 : index
    %get3A_0 = arith.constant 0 : index
    %get3A_1 = vector.load %arg1[%get3A, %get3A_0] : memref<3x8192xf32, #tpu.memory_space<vmem>>, vector<3x8192xf32>
    %get3A_2 = arith.constant 0 : index
    %get3A_3 = arith.constant 0 : index
    %get3A_4 = vector.load %arg2[%get3A_2, %get3A_3] : memref<32x1xf32, #tpu.memory_space<vmem>>, vector<32x1xf32>
    %iota3A = tpu.iota {dimensions = array<i32: 0>} : vector<32x1xi32>
    %shift_right_arithmetic3A = arith.constant 1 : i32
    %shift_right_arithmetic3A_5 = vector.broadcast %shift_right_arithmetic3A : i32 to vector<32x1xi32>
    %shift_right_arithmetic3A_6 = arith.shrsi %iota3A, %shift_right_arithmetic3A_5 : vector<32x1xi32>
    %and3A = arith.constant 1 : i32
    %and3A_7 = vector.broadcast %and3A : i32 to vector<32x1xi32>
    %and3A_8 = arith.andi %iota3A, %and3A_7 : vector<32x1xi32>
    %slice3A = vector.extract_strided_slice %get3A_1 {offsets = [0, 0], sizes = [1, 8192], strides = [1, 1]} : vector<3x8192xf32> to vector<1x8192xf32>
    %mul3A = vector.broadcast %slice3A : vector<1x8192xf32> to vector<32x8192xf32>
    %mul3A_9 = vector.broadcast %get3A_4 : vector<32x1xf32> to vector<32x8192xf32>
    %mul3A_10 = arith.mulf %mul3A, %mul3A_9 : vector<32x8192xf32>
    %convert_element_type3A = arith.fptosi %mul3A_10 : vector<32x8192xf32> to vector<32x8192xi32>
    %slice3A_11 = vector.extract_strided_slice %get3A_1 {offsets = [1, 0], sizes = [1, 8192], strides = [1, 1]} : vector<3x8192xf32> to vector<1x8192xf32>
    %mul3A_12 = vector.broadcast %slice3A_11 : vector<1x8192xf32> to vector<32x8192xf32>
    %mul3A_13 = vector.broadcast %get3A_4 : vector<32x1xf32> to vector<32x8192xf32>
    %mul3A_14 = arith.mulf %mul3A_12, %mul3A_13 : vector<32x8192xf32>
    %convert_element_type3A_15 = arith.fptosi %mul3A_14 : vector<32x8192xf32> to vector<32x8192xi32>
    %slice3A_16 = vector.extract_strided_slice %get3A_1 {offsets = [2, 0], sizes = [1, 8192], strides = [1, 1]} : vector<3x8192xf32> to vector<1x8192xf32>
    %mul3A_17 = vector.broadcast %slice3A_16 : vector<1x8192xf32> to vector<32x8192xf32>
    %mul3A_18 = vector.broadcast %get3A_4 : vector<32x1xf32> to vector<32x8192xf32>
    %mul3A_19 = arith.mulf %mul3A_17, %mul3A_18 : vector<32x8192xf32>
    %convert_element_type3A_20 = arith.fptosi %mul3A_19 : vector<32x8192xf32> to vector<32x8192xi32>
    %mul3A_21 = arith.constant -1640531535 : i32
    %mul3A_22 = vector.broadcast %mul3A_21 : i32 to vector<32x8192xi32>
    %mul3A_23 = arith.muli %convert_element_type3A_15, %mul3A_22 : vector<32x8192xi32>
    %xor3A = arith.xori %convert_element_type3A, %mul3A_23 : vector<32x8192xi32>
    %mul3A_24 = arith.constant 805459861 : i32
    %mul3A_25 = vector.broadcast %mul3A_24 : i32 to vector<32x8192xi32>
    %mul3A_26 = arith.muli %convert_element_type3A_20, %mul3A_25 : vector<32x8192xi32>
    %xor3A_27 = arith.xori %xor3A, %mul3A_26 : vector<32x8192xi32>
    %and3A_28 = arith.constant 524287 : i32
    %and3A_29 = vector.broadcast %and3A_28 : i32 to vector<32x8192xi32>
    %and3A_30 = arith.andi %xor3A_27, %and3A_29 : vector<32x8192xi32>
    %shift_left3A = arith.constant 20 : i32
    %shift_left3A_31 = vector.broadcast %shift_left3A : i32 to vector<32x1xi32>
    %shift_left3A_32 = arith.shli %shift_right_arithmetic3A_6, %shift_left3A_31 : vector<32x1xi32>
    %shift_right_arithmetic3A_33 = arith.constant 7 : i32
    %shift_right_arithmetic3A_34 = vector.broadcast %shift_right_arithmetic3A_33 : i32 to vector<32x8192xi32>
    %shift_right_arithmetic3A_35 = arith.shrsi %and3A_30, %shift_right_arithmetic3A_34 : vector<32x8192xi32>
    %shift_left3A_36 = arith.constant 8 : i32
    %shift_left3A_37 = vector.broadcast %shift_left3A_36 : i32 to vector<32x8192xi32>
    %shift_left3A_38 = arith.shli %shift_right_arithmetic3A_35, %shift_left3A_37 : vector<32x8192xi32>
    %add3A = vector.broadcast %shift_left3A_32 : vector<32x1xi32> to vector<32x8192xi32>
    %add3A_39 = arith.addi %add3A, %shift_left3A_38 : vector<32x8192xi32>
    %shift_left3A_40 = arith.constant 7 : i32
    %shift_left3A_41 = vector.broadcast %shift_left3A_40 : i32 to vector<32x1xi32>
    %shift_left3A_42 = arith.shli %and3A_8, %shift_left3A_41 : vector<32x1xi32>
    %add3A_43 = vector.broadcast %shift_left3A_42 : vector<32x1xi32> to vector<32x8192xi32>
    %add3A_44 = arith.addi %add3A_39, %add3A_43 : vector<32x8192xi32>
    %and3A_45 = arith.constant 127 : i32
    %and3A_46 = vector.broadcast %and3A_45 : i32 to vector<32x8192xi32>
    %and3A_47 = arith.andi %and3A_30, %and3A_46 : vector<32x8192xi32>
    %add3A_48 = arith.addi %add3A_44, %and3A_47 : vector<32x8192xi32>
    %swap3A = arith.constant 0 : index
    %swap3A_49 = arith.constant 0 : index
    %swap3A_50 = vector.load %arg3[%swap3A, %swap3A_49] : memref<32x8192xi32, #tpu.memory_space<vmem>>, vector<32x8192xi32>
    tpu.vector_store %arg3[%swap3A, %swap3A_49], %add3A_48 {strides = array<i32>} : memref<32x8192xi32, #tpu.memory_space<vmem>>, vector<32x8192xi32>,
    return
  }
  func.func @transform_0(%arg0: i32) -> (i32, i32) {
    %mul3A = arith.constant 0 : i32
    %mul3A_0 = arith.muli %arg0, %mul3A : i32
    %c0_i32 = arith.constant 0 : i32
    return %mul3A_0, %arg0 : i32, i32
  }
  func.func @transform_1(%arg0: i32) -> (i32, i32) {
    %mul3A = arith.constant 0 : i32
    %mul3A_0 = arith.muli %arg0, %mul3A : i32
    %mul3A_1 = arith.constant 0 : i32
    %mul3A_2 = arith.muli %arg0, %mul3A_1 : i32
    %c0_i32 = arith.constant 0 : i32
    return %mul3A_0, %mul3A_2 : i32, i32
  }
  func.func @transform_2(%arg0: i32) -> (i32, i32) {
    %mul3A = arith.constant 0 : i32
    %mul3A_0 = arith.muli %arg0, %mul3A : i32
    %c0_i32 = arith.constant 0 : i32
    return %mul3A_0, %arg0 : i32, i32
  }
}

module attributes {stable_mosaic.version = 14 : i64} {
  func.func @_mlp_body(%arg0: i32, %arg1: memref<32x8192xf32, #tpu.memory_space<vmem>>, %arg2: memref<64x32xf32, #tpu.memory_space<vmem>>, %arg3: memref<64x1xf32, #tpu.memory_space<vmem>>, %arg4: memref<64x64xf32, #tpu.memory_space<vmem>>, %arg5: memref<64x1xf32, #tpu.memory_space<vmem>>, %arg6: memref<4x64xf32, #tpu.memory_space<vmem>>, %arg7: memref<4x1xf32, #tpu.memory_space<vmem>>, %arg8: memref<4x8192xf32, #tpu.memory_space<vmem>>) attributes {dimension_semantics = [#tpu.dimension_semantics<arbitrary>], iteration_bounds = array<i64: 16>, scalar_prefetch = 0 : i64, scratch_operands = 0 : i64, tpu.core_type = #tpu.core_type<tc>, window_params = [{transform_indices = @transform_0, window_bounds = array<i64: 32, 8192>}, {transform_indices = @transform_1, window_bounds = array<i64: 64, 32>}, {transform_indices = @transform_2, window_bounds = array<i64: 64, 1>}, {transform_indices = @transform_3, window_bounds = array<i64: 64, 64>}, {transform_indices = @transform_4, window_bounds = array<i64: 64, 1>}, {transform_indices = @transform_5, window_bounds = array<i64: 4, 64>}, {transform_indices = @transform_6, window_bounds = array<i64: 4, 1>}, {transform_indices = @transform_7, window_bounds = array<i64: 4, 8192>}]} {
    %get3A = arith.constant 0 : index
    %get3A_0 = arith.constant 0 : index
    %get3A_1 = vector.load %arg1[%get3A, %get3A_0] : memref<32x8192xf32, #tpu.memory_space<vmem>>, vector<32x8192xf32>
    %get3A_2 = arith.constant 0 : index
    %get3A_3 = arith.constant 0 : index
    %get3A_4 = vector.load %arg2[%get3A_2, %get3A_3] : memref<64x32xf32, #tpu.memory_space<vmem>>, vector<64x32xf32>
    %dot_general3A = arith.constant dense<0.000000e+00> : vector<64x8192xf32>
    %dot_general3A_5 = tpu.matmul %get3A_4, %get3A_1, %dot_general3A {dimension_numbers = #tpu.dot_dimension_numbers<[1], [0], [0], [1], [0, 0, 1, 1], [], []>, transpose_lhs_hint = false} : vector<64x32xf32>, vector<32x8192xf32>, vector<64x8192xf32> -> vector<64x8192xf32>
    %get3A_6 = arith.constant 0 : index
    %get3A_7 = arith.constant 0 : index
    %get3A_8 = vector.load %arg3[%get3A_6, %get3A_7] : memref<64x1xf32, #tpu.memory_space<vmem>>, vector<64x1xf32>
    %add3A = vector.broadcast %get3A_8 : vector<64x1xf32> to vector<64x8192xf32>
    %add3A_9 = arith.addf %dot_general3A_5, %add3A : vector<64x8192xf32>
    %max3A = arith.constant 0.000000e+00 : f32
    %max3A_10 = vector.broadcast %max3A : f32 to vector<64x8192xf32>
    %max3A_11 = arith.maximumf %add3A_9, %max3A_10 : vector<64x8192xf32>
    %get3A_12 = arith.constant 0 : index
    %get3A_13 = arith.constant 0 : index
    %get3A_14 = vector.load %arg4[%get3A_12, %get3A_13] : memref<64x64xf32, #tpu.memory_space<vmem>>, vector<64x64xf32>
    %dot_general3A_15 = arith.constant dense<0.000000e+00> : vector<64x8192xf32>
    %dot_general3A_16 = tpu.matmul %get3A_14, %max3A_11, %dot_general3A_15 {dimension_numbers = #tpu.dot_dimension_numbers<[1], [0], [0], [1], [0, 0, 1, 1], [], []>, transpose_lhs_hint = false} : vector<64x64xf32>, vector<64x8192xf32>, vector<64x8192xf32> -> vector<64x8192xf32>
    %get3A_17 = arith.constant 0 : index
    %get3A_18 = arith.constant 0 : index
    %get3A_19 = vector.load %arg5[%get3A_17, %get3A_18] : memref<64x1xf32, #tpu.memory_space<vmem>>, vector<64x1xf32>
    %add3A_20 = vector.broadcast %get3A_19 : vector<64x1xf32> to vector<64x8192xf32>
    %add3A_21 = arith.addf %dot_general3A_16, %add3A_20 : vector<64x8192xf32>
    %max3A_22 = arith.constant 0.000000e+00 : f32
    %max3A_23 = vector.broadcast %max3A_22 : f32 to vector<64x8192xf32>
    %max3A_24 = arith.maximumf %add3A_21, %max3A_23 : vector<64x8192xf32>
    %get3A_25 = arith.constant 0 : index
    %get3A_26 = arith.constant 0 : index
    %get3A_27 = vector.load %arg6[%get3A_25, %get3A_26] : memref<4x64xf32, #tpu.memory_space<vmem>>, vector<4x64xf32>
    %dot_general3A_28 = arith.constant dense<0.000000e+00> : vector<4x8192xf32>
    %dot_general3A_29 = tpu.matmul %get3A_27, %max3A_24, %dot_general3A_28 {dimension_numbers = #tpu.dot_dimension_numbers<[1], [0], [0], [1], [0, 0, 1, 1], [], []>, transpose_lhs_hint = false} : vector<4x64xf32>, vector<64x8192xf32>, vector<4x8192xf32> -> vector<4x8192xf32>
    %get3A_30 = arith.constant 0 : index
    %get3A_31 = arith.constant 0 : index
    %get3A_32 = vector.load %arg7[%get3A_30, %get3A_31] : memref<4x1xf32, #tpu.memory_space<vmem>>, vector<4x1xf32>
    %add3A_33 = vector.broadcast %get3A_32 : vector<4x1xf32> to vector<4x8192xf32>
    %add3A_34 = arith.addf %dot_general3A_29, %add3A_33 : vector<4x8192xf32>
    %neg3A = arith.constant 0.000000e+00 : f32
    %neg3A_35 = vector.broadcast %neg3A : f32 to vector<4x8192xf32>
    %neg3A_36 = arith.subf %neg3A_35, %add3A_34 : vector<4x8192xf32>
    %exp3A = math.exp %neg3A_36 : vector<4x8192xf32>
    %add3A_37 = arith.constant 1.000000e+00 : f32
    %add3A_38 = vector.broadcast %add3A_37 : f32 to vector<4x8192xf32>
    %add3A_39 = arith.addf %add3A_38, %exp3A : vector<4x8192xf32>
    %div3A = arith.constant 1.000000e+00 : f32
    %div3A_40 = vector.broadcast %div3A : f32 to vector<4x8192xf32>
    %div3A_41 = arith.divf %div3A_40, %add3A_39 : vector<4x8192xf32>
    %max3A_42 = arith.constant 0.000000e+00 : f32
    %max3A_43 = vector.broadcast %max3A_42 : f32 to vector<4x8192xf32>
    %max3A_44 = arith.maximumf %add3A_34, %max3A_43 : vector<4x8192xf32>
    %abs3A = math.absf %add3A_34 : vector<4x8192xf32>
    %neg3A_45 = arith.constant 0.000000e+00 : f32
    %neg3A_46 = vector.broadcast %neg3A_45 : f32 to vector<4x8192xf32>
    %neg3A_47 = arith.subf %neg3A_46, %abs3A : vector<4x8192xf32>
    %exp3A_48 = math.exp %neg3A_47 : vector<4x8192xf32>
    %add3A_49 = arith.constant 1.000000e+00 : f32
    %add3A_50 = vector.broadcast %add3A_49 : f32 to vector<4x8192xf32>
    %add3A_51 = arith.addf %add3A_50, %exp3A_48 : vector<4x8192xf32>
    %log3A = math.log %add3A_51 : vector<4x8192xf32>
    %add3A_52 = arith.addf %max3A_44, %log3A : vector<4x8192xf32>
    %iota3A = tpu.iota {dimensions = array<i32: 0>} : vector<4x8192xi32>
    %lt3A = arith.constant 3 : i32
    %lt3A_53 = vector.broadcast %lt3A : i32 to vector<4x8192xi32>
    %lt3A_54 = arith.cmpi slt, %iota3A, %lt3A_53 : vector<4x8192xi32>
    %select_n3A = arith.select %lt3A_54, %div3A_41, %add3A_52 : vector<4x8192xi1>, vector<4x8192xf32>
    %swap3A = arith.constant 0 : index
    %swap3A_55 = arith.constant 0 : index
    %swap3A_56 = vector.load %arg8[%swap3A, %swap3A_55] : memref<4x8192xf32, #tpu.memory_space<vmem>>, vector<4x8192xf32>
    tpu.vector_store %arg8[%swap3A, %swap3A_55], %select_n3A {strides = array<i32>} : memref<4x8192xf32, #tpu.memory_space<vmem>>, vector<4x8192xf32>,
    return
  }
  func.func @transform_0(%arg0: i32) -> (i32, i32) {
    %mul3A = arith.constant 0 : i32
    %mul3A_0 = arith.muli %arg0, %mul3A : i32
    %c0_i32 = arith.constant 0 : i32
    return %mul3A_0, %arg0 : i32, i32
  }
  func.func @transform_1(%arg0: i32) -> (i32, i32) {
    %mul3A = arith.constant 0 : i32
    %mul3A_0 = arith.muli %arg0, %mul3A : i32
    %mul3A_1 = arith.constant 0 : i32
    %mul3A_2 = arith.muli %arg0, %mul3A_1 : i32
    %c0_i32 = arith.constant 0 : i32
    return %mul3A_0, %mul3A_2 : i32, i32
  }
  func.func @transform_2(%arg0: i32) -> (i32, i32) {
    %mul3A = arith.constant 0 : i32
    %mul3A_0 = arith.muli %arg0, %mul3A : i32
    %mul3A_1 = arith.constant 0 : i32
    %mul3A_2 = arith.muli %arg0, %mul3A_1 : i32
    %c0_i32 = arith.constant 0 : i32
    return %mul3A_0, %mul3A_2 : i32, i32
  }
  func.func @transform_3(%arg0: i32) -> (i32, i32) {
    %mul3A = arith.constant 0 : i32
    %mul3A_0 = arith.muli %arg0, %mul3A : i32
    %mul3A_1 = arith.constant 0 : i32
    %mul3A_2 = arith.muli %arg0, %mul3A_1 : i32
    %c0_i32 = arith.constant 0 : i32
    return %mul3A_0, %mul3A_2 : i32, i32
  }
  func.func @transform_4(%arg0: i32) -> (i32, i32) {
    %mul3A = arith.constant 0 : i32
    %mul3A_0 = arith.muli %arg0, %mul3A : i32
    %mul3A_1 = arith.constant 0 : i32
    %mul3A_2 = arith.muli %arg0, %mul3A_1 : i32
    %c0_i32 = arith.constant 0 : i32
    return %mul3A_0, %mul3A_2 : i32, i32
  }
  func.func @transform_5(%arg0: i32) -> (i32, i32) {
    %mul3A = arith.constant 0 : i32
    %mul3A_0 = arith.muli %arg0, %mul3A : i32
    %mul3A_1 = arith.constant 0 : i32
    %mul3A_2 = arith.muli %arg0, %mul3A_1 : i32
    %c0_i32 = arith.constant 0 : i32
    return %mul3A_0, %mul3A_2 : i32, i32
  }
  func.func @transform_6(%arg0: i32) -> (i32, i32) {
    %mul3A = arith.constant 0 : i32
    %mul3A_0 = arith.muli %arg0, %mul3A : i32
    %mul3A_1 = arith.constant 0 : i32
    %mul3A_2 = arith.muli %arg0, %mul3A_1 : i32
    %c0_i32 = arith.constant 0 : i32
    return %mul3A_0, %mul3A_2 : i32, i32
  }
  func.func @transform_7(%arg0: i32) -> (i32, i32) {
    %mul3A = arith.constant 0 : i32
    %mul3A_0 = arith.muli %arg0, %mul3A : i32
    %c0_i32 = arith.constant 0 : i32
    return %mul3A_0, %arg0 : i32, i32
  }
}

</mosaic_0001>

<sc_bundles>
// kernel: kernel.11.cloned.1.call-start
scs
__scs_entry_jumppad:
0x0: {  	(pc) =	sbr.rel $0x88, $3  }
0x1: {  	(tag) =	ssettag $0x0;
	lr =	simm.s32 $0x1  }
0x2: {  	[smem:$0x3F99] =	sst lr;
	_ =	strace $0xD0000000  }
0x3: {  	_ = 	snop  }
0x4: {  	_ = 	snop  }
0x5: {  	_ = 	snop  }
0x6: {  	_ = 	snop  }
0x7: {  	_ = 	snop  }
__scs_overlays_trampoline_lowered:
0x8: {  	[smem:$0x3FA8] =	sst s0  }
0x9: {  	[smem:$0x3FA9] =	sst s1  }
0xa: {  	[smem:$0x3FAA] =	sst s2  }
0xb: {  	[smem:$0x3FAB] =	sst s3  }
0xc: {  	[smem:$0x3FAC] =	sst s4  }
0xd: {  	[smem:$0x3FAD] =	sst s5  }
0xe: {  	[smem:$0x3FAE] =	sst s6  }
0xf: {  	[smem:$0x3FAF] =	sst s7  }
0x10: {  	[smem:$0x3FB0] =	sst s8  }
0x11: {  	[smem:$0x3FB1] =	sst s9;
	s0 =	simm.s32 @!p0 $0x0  }
0x12: {  	s1 =	sld [smem:$0x3F97];
	s0 =	simm.s32 @p0 $0x1  }
0x13: {  	[smem:$0x3FB2] =	sst s0;
	s0 =	simm.s32 @!p1 $0x0  }
0x14: {  	s2 =	sld [smem:$0x3F96];
	s0 =	simm.s32 @p1 $0x1  }
0x15: {  	[smem:$0x3FB3] =	sst s0;
	s0 =	simm.s32 @!p2 $0x0  }
0x16: {  	s3 =	sld [smem:$0x3FDB];
	s0 =	simm.s32 @p2 $0x1  }
0x17: {  	s4 =	simm.s32 $0x1BF5;
	[smem:$0x3FB5] =	sst s0  }
0x18: {  	s0 =	sld [smem:$0x3F98];
	_ =	swait.ge [sflag:s4], $0x0  }
0x19: {  	s7 =	sld [smem:$0x3F99]  }
0x1a: {  	s8 =	sadd.s32 $0xFFFFE003, lr  }
0x1b: {  	s9 =	sadd.s32 $0xFFFFFEF7, lr;
	s5 =	simm.s32 $0xFFFFFFFF;
	p2 =	slt.u32 s8, $0xFFFFF086  }
0x1c: {  	p1 =	slt.u32 s9, $0xF7A;
	s5 =	simm.s32 @!p2 $0x0  }
0x1d: {  	s5 =	simm.s32 @p1 $0x1;
	p0 =	seq.s32 s7, s2  }
0x1e: {  	s7 =	smul.u32 @!p0 $0xF7A, s2;
	p2 =	seq.s32 @!p0 s5, $0x0  }
0x1f: {  	s9 =	smul.u32 $0xF7A, s1;
	s8 =	simm.s32 @!p0 $0x1BF5;
	p2 =	por !p2, p0  }
0x20: {  	[sflag:s8] =	ssyncset.s32 @!p0 $0xFFFFF086;
	s6 =	sadd.s32 @!p0 s3, s7;
	s7 =	simm.s32 @!p0 $0x108  }
0x21: {  	s3 =	sadd.s32 s3, s9;
	s6 =	sadd.s32 @!p0 $0x88, s6;
	s7 =	simm.s32 @p2 $0x1082  }
0x22: {  	[simem:s7], [sflag:s8] =	dma.local @!p0 [hbm:s6], $0xF7A  }
0x23: {  	s9 =	sor.u32 $0xD0000000, s2;
	s6 =	simm.s32 $0x108;
	_ =	swait.ge @!p0 [sflag:s8], $0x0  }
0x24: {  	s3 =	sadd.s32 $0x88, s3;
	s6 =	simm.s32 @!p1 $0x1082;
	[sflag:s4] =	ssyncset.s32 $0xFFFFF086  }
0x25: {  	[simem:s6], [sflag:s4] =	dma.local [hbm:s3], $0xF7A  }
0x26: {  	[smem:$0x3F99] =	sst s1;
	(tag) =	ssettag s2;
	_ =	strace s9  }
0x27: {  	s1 =	sld [smem:$0x3FA9]  }
0x28: {  	s2 =	sld [smem:$0x3FAA]  }
0x29: {  	s4 =	sld [smem:$0x3FAC]  }
0x2a: {  	p0 =	seq.s32 s5, $0x0;
	s5 =	sld [smem:$0x3FAD]  }
0x2b: {  	s6 =	sld [smem:$0x3FAE]  }
0x2c: {  	s7 =	sld [smem:$0x3FAF]  }
0x2d: {  	s3 =	simm.s32 $0x108;
	s8 =	sld [smem:$0x3FB0]  }
0x2e: {  	s3 =	simm.s32 @!p0 $0x1082;
	s9 =	sld [smem:$0x3FB1]  }
0x2f: {  	lr =	sadd.s32 s0, s3;
	s0 =	sld [smem:$0x3FA8]  }
0x30: {  	s3 =	sld [smem:$0x3FAB]  }
0x31: {  	[smem:$0x3FB4] =	sst s10  }
0x32: {  	s10 =	sld [smem:$0x3FB2];
	_ =	sdelay $0x3  }
0x33: {  	p0 =	seq.s32 s10, $0x1;
	s10 =	sld [smem:$0x3FB4];
	_ =	sdelay $0x3  }
0x34: {  	[smem:$0x3FB4] =	sst s10  }
0x35: {  	s10 =	sld [smem:$0x3FB3];
	_ =	sdelay $0x3  }
0x36: {  	p1 =	seq.s32 s10, $0x1;
	s10 =	sld [smem:$0x3FB4];
	_ =	sdelay $0x3  }
0x37: {  	[smem:$0x3FB4] =	sst s10  }
0x38: {  	s10 =	sld [smem:$0x3FB5]  }
0x39: {  	_ = 	snop;
	(pc) =	sbr.ind lr, $3  }
0x3a: {  	_ = 	snop  }
0x3b: {  	_ = 	snop  }
0x3c: {  	p2 =	seq.s32 s10, $0x1;
	s10 =	sld [smem:$0x3FB4]  }
0x3d: {  	_ =	shalt  }
0x3e: {  	_ =	shalt  }
0x3f: {  	_ =	shalt  }
0x40: {  	_ =	shalt  }
0x41: {  	_ =	shalt  }
0x42: {  	_ =	shalt  }
0x43: {  	_ =	shalt  }
0x44: {  	_ =	shalt  }
0x45: {  	_ =	shalt  }
0x46: {  	_ =	shalt  }
0x47: {  	_ =	shalt  }
0x48: {  	_ =	shalt  }
0x49: {  	_ =	shalt  }
0x4a: {  	_ =	shalt  }
0x4b: {  	_ =	shalt  }
0x4c: {  	_ =	shalt  }
0x4d: {  	_ =	shalt  }
0x4e: {  	_ =	shalt  }
0x4f: {  	_ =	shalt  }
0x50: {  	_ =	shalt  }
0x51: {  	_ =	shalt  }
0x52: {  	_ =	shalt  }
0x53: {  	_ =	shalt  }
0x54: {  	_ =	shalt  }
0x55: {  	_ =	shalt  }
0x56: {  	_ =	shalt  }
0x57: {  	_ =	shalt  }
0x58: {  	_ =	shalt  }
0x59: {  	_ =	shalt  }
0x5a: {  	_ =	shalt  }
0x5b: {  	_ =	shalt  }
0x5c: {  	_ =	shalt  }
0x5d: {  	_ =	shalt  }
0x5e: {  	_ =	shalt  }
0x5f: {  	_ =	shalt  }
0x60: {  	_ =	shalt  }
0x61: {  	_ =	shalt  }
0x62: {  	_ =	shalt  }
0x63: {  	_ =	shalt  }
0x64: {  	_ =	shalt  }
0x65: {  	_ =	shalt  }
0x66: {  	_ =	shalt  }
0x67: {  	_ =	shalt  }
0x68: {  	_ =	shalt  }
0x69: {  	_ =	shalt  }
0x6a: {  	_ =	shalt  }
0x6b: {  	_ =	shalt  }
0x6c: {  	_ =	shalt  }
0x6d: {  	_ =	shalt  }
0x6e: {  	_ =	shalt  }
0x6f: {  	_ =	shalt  }
0x70: {  	_ =	shalt  }
0x71: {  	_ =	shalt  }
0x72: {  	_ =	shalt  }
0x73: {  	_ =	shalt  }
0x74: {  	_ =	shalt  }
0x75: {  	_ =	shalt  }
0x76: {  	_ =	shalt  }
0x77: {  	_ =	shalt  }
0x78: {  	_ =	shalt  }
0x79: {  	_ =	shalt  }
0x7a: {  	_ =	shalt  }
0x7b: {  	_ =	shalt  }
0x7c: {  	_ =	shalt  }
0x7d: {  	_ =	shalt  }
0x7e: {  	_ =	shalt  }
0x7f: {  	_ =	shalt  }
0x80: {  	_ =	shalt  }
0x81: {  	_ =	shalt  }
0x82: {  	_ =	shalt  }
0x83: {  	_ =	shalt  }
0x84: {  	_ =	shalt  }
0x85: {  	_ =	shalt  }
0x86: {  	_ =	shalt  }
0x87: {  	_ =	shalt  }
.Lfunc_end0:
.L_simem_size_0:
called_computation.1_lowered:
.L_overlay_start_0:
0x88: {  	s2 =	sld [smem:$0x3FD9]  }
0x89: {  	s3 =	sld [smem:$0x3FFE];
	_ =	sdelay $0x1  }
0x8a: {  	s1 =	srdreg.scid  }
0x8b: {  	s0 =	sand.u32 $0x1, s1  }
0x8c: {  	s17 =	sshll.u32 s0, $0xA;
	s2 =	sadd.s32 s3, s2  }
0x8d: {  	s2 =	sadd.s32 s2, s17  }
0x8e: {  	[smem:$0x3FC0] =	sst s2  }
0x8f: {  	_ = 	snop  }
0x90: {  	s18 =	sld [smem:$0x3FC8];
	(tm) =	ssettm $0x1  }
0x91: {  	s19 =	sld [smem:$0x3FFB];
	_ =	sdelay $0x3  }
0x92: {  	_ =	strace s19  }
0x93: {  	s2 =	sld [smem:$0x3FFC];
	_ =	sdelay $0x3  }
0x94: {  	_ =	strace s2  }
0x95: {  	s2 =	sld [smem:$0x3FFD];
	_ =	sdelay $0x3  }
0x96: {  	_ =	strace s2  }
0x97: {  	_ =	strace $0x8FFFFFFF  }
0x98: {  	s20 =	sld [smem:$0x3FDB];
	_ =	sdelay $0x1  }
0x99: {  	s4 =	simm.s32 $_scs_section_size  }
0x9a: {  	s5 =	simm.s32 $_size__tile_overlayer_lowered;
	s6 =	simm.s32 $_tile_overlayer_lowered  }
0x9b: {  	s7 =	simm.s32 $0x1BFF;
	s21 =	sshll.u32 s6, $0x1;
	s4 =	sadd.s32 s4, s20  }
0x9c: {  	s22 =	simm.s32 $0x0;
	s5 =	sshll.u32 s5, $0x1;
	s6 =	sadd.s32 s21, s4  }
0x9d: {  	[timem:s22], [sflag:s7] =	dma.local [hbm:s6], s5  }
0x9e: {  	_ =	swait.ge [sflag:s7], s5  }
0x9f: {  	s5 =	ssub.s32 $0x0, s5;
	[sflag:s7] =	ssyncset.done $0x0  }
0xa0: {  	[sflag:s7] =	ssyncadd.s32 s5;
	_ =	sdelay $0x1  }
0xa1: {  	s23 =	simm.s32 $0x1B8B  }
0xa2: {  	_ =	swait.ge [sflag:s23], $0x1  }
0xa3: {  	[sflag:s23] =	ssyncset.done $0x0  }
0xa4: {  	[sflag:s23] =	ssyncadd.s32 $0xFFFFFFFF  }
0xa5: {  	s5 =	sld [smem:$0x0]  }
0xa6: {  	s6 =	sand.u32 $0xFFFFFFFE, s1  }
0xa7: {  	p0 =	sne.s32 s1, s6  }
0xa8: {  	s6 =	sshll.u32 @p0 s6, $0xE  }
0xa9: {  	s6 =	sadd.s32 @p0 $0x11B8D, s6;
	s7 =	sshll.u32 @p0 s5, $0x11  }
0xaa: {  	s6 =	sor.u32 @p0 s7, s6  }
0xab: {  	[sflag:s6] =	ssyncadd.remote.s32 @p0 $0x1;
	_ =	sdelay $0x1  }
0xac: {  	s6 =	simm.s32 @p0 $0x1B8D  }
0xad: {  	_ =	swait.eq @p0 [sflag:s6], $0x1  }
0xae: {  	[sflag:s6] =	ssyncadd.s32 @p0 $0xFFFFFFFF  }
0xaf: {  	s7 =	sshll.u32 @!p0 s1, $0xE  }
0xb0: {  	s7 =	sor.u32 @!p0 $0x4000, s7;
	s6 =	simm.s32 @!p0 $0x1B8D  }
0xb1: {  	s5 =	sshll.u32 @!p0 s5, $0x11;
	s7 =	sadd.s32 @!p0 $0x11B8D, s7;
	_ =	swait.eq @!p0 [sflag:s6], $0x1  }
0xb2: {  	s5 =	sor.u32 @!p0 s5, s7;
	[sflag:s6] =	ssyncadd.s32 @!p0 $0xFFFFFFFF  }
0xb3: {  	s25 =	simm.s32 $0x1B8E;
	s24 =	sld [smem:$0x3FFE];
	[sflag:s5] =	ssyncadd.remote.s32 @!p0 $0x1  }
0xb4: {  	s26 =	simm.s32 $execute0_lowered;
	[smem:$0x3FD2] =	sst s25  }
0xb5: {  	s6 =	sshll.u32 s26, $0x1;
	_ =	strace $0x80000049;
	[dreg:$0x1] =	wrdreg $0xFFFFFFFF  }
0xb6: {  	s28 =	simm.s32 $_size_execute0_lowered;
	s4 =	sadd.s32 s4, s6;
	[dreg:$0x0] =	wrdreg $0x0  }
0xb7: {  	s6 =	sshll.u32 s28, $0x1;
	[dreg:$0x2] =	wrdreg s4  }
0xb8: {  	[dreg:$0x3] =	wrdreg s6  }
0xb9: {  	[dreg:$0x4] =	wrdreg $0xC0  }
0xba: {  	_ =	task [dreg:s22], $0x5FFFF  }
0xbb: {  	[dreg:$0x1] =	wrdreg $0xFFFFFFFF  }
0xbc: {  	[dreg:$0x0] =	wrdreg $0x60  }
0xbd: {  	[dreg:$0x2] =	wrdreg s18  }
0xbe: {  	[dreg:$0x3] =	wrdreg s24  }
0xbf: {  	[dreg:$0x4] =	wrdreg $0xA  }
0xc0: {  	_ =	task.clear_ibuf [dreg:s22], $0x5FFFF;
	_ =	strace $0x90000049  }
0xc1: {  	s29 =	simm.s32 $0xA;
	_ =	strace $0x8000004B  }
0xc2: {  	_ =	swait.ge [sflag:s29], $0x1  }
0xc3: {  	[sflag:s29] =	ssyncadd.s32 $0xFFFFFFFF  }
0xc4: {  	_ =	strace $0x9000004B  }
0xc5: {  	_ =	sfence  }
0xc6: {  	s30 =	sld [smem:$0x0];
	_ =	sdelay $0x2  }
0xc7: {  	s31 =	sshll.u32 s1, $0xD;
	s1 =	sshrl.u32 s1, $0x2  }
0xc8: {  	s4 =	sand.u32 $0x4000, s31;
	s1 =	sadd.s32 s1, s30  }
0xc9: {  	s0 =	sor.u32 s4, s0;
	s1 =	sshll.u32 s1, $0x11  }
0xca: {  	s0 =	sor.u32 s1, s0  }
0xcb: {  	s0 =	sadd.s32 $0x8F2B, s0  }
0xcc: {  	[sflag:s0] =	ssyncadd.remote.s32 $0x1  }
0xcd: {  	_ =	sfence.sel $0xFFFF  }
0xce: {  	[dreg:$0x0] =	wrdreg $0xFFFFFFFF;
	(pc) =	sbr.abs _section_cstart, $3  }
0xcf: {  	[dreg:$0x1] =	wrdreg $0xFFFFFFFF  }
0xd0: {  	_ =	task.clear_ibuf [dreg:s22], $0x2FFFF;
	_ =	strace $0x9FFFFFFF  }
0xd1: {  	(tm) =	ssettm $0x7FFFFFFF  }
tec
execute0_lowered:
.L_overlay_start_1:
0x0: {  	(tag) =	ssettag $0x1  }
0x1: {  	s1 =	rddreg [dreg:$0x0]  }
0x2: {  	s0 =	rddreg [dreg:$0x1]  }
0x3: {  	s3 =	simm.s32 $0x0;
	s4 =	srdreg.scid;
	s2 =	stileid.u32  }
0x4: {  	s11 =	simm.s32 $0x8000;
	s13 =	simm.s32 $0x4000;
	s14 =	simm.s32 $0xC000  }
0x5: {  	s15 =	simm.s32 $0x6000;
	s16 =	simm.s32 $0xE000;
	s17 =	simm.s32 $0x1  }
0x6: {  	s18 =	simm.s32 $0x3;
	s19 =	simm.s32 $0x4;
	[smem:$0x7FF] =	sst s3  }
0x7: {  	s4 =	sand.u32 $0x1, s4;
	s5 =	sshll.u32 s2, $0x12;
	s8 =	sadd.s32 $0x101E00, s0  }
0x8: {  	s0 =	sadd.s32 $0x181E00, s0;
	s6 =	sshll.u32 s4, $0x11;
	s4 =	ssub.s32 $0x2, s4  }
0x9: {  	_ =	strace $0x8000004A;
	s6 =	sor.u32 s6, s5;
	s20 =	sshrl.u32 s4, $0x1  }
0xa: {  	s7 =	sshrl.u32 s6, $0x3;
	s9 =	ssub.s32 s4, s20;
	s10 =	sor.u32 $0x8000, s6  }
0xb: {  	s23 =	sor.u32 $0xA000, s6;
	s25 =	sor.u32 $0xC000, s6;
	s6 =	sor.u32 $0x6000, s6  }
0xc: {  	s20 =	simm.s32 $0x5;
	s4 =	sadd.s32 s7, s0;
	s5 =	sadd.s32 s8, s7  }
0xd: {  	s10 =	sshrl.u32 s10, $0x3;
	s24 =	sshrl.u32 s23, $0x3;
	s21 =	sadd.s32 $0x3400, s4  }
0xe: {  	s28 =	sshrl.u32 s6, $0x3;
	s22 =	sadd.s32 s10, s8;
	[dreg:$0x3] =	wrdreg s21  }
0xf: {  	s23 =	simm.s32 $0x8;
	s7 =	sadd.s32 s24, s8;
	[dreg:$0x4] =	wrdreg s22  }
0x10: {  	s10 =	sshrl.u32 s25, $0x3;
	s29 =	sadd.s32 $0x400, s5;
	[dreg:$0x5] =	wrdreg s7  }
0x11: {  	s0 =	sadd.s32 s28, s0;
	s30 =	sadd.s32 $0x800, s5;
	[dreg:$0x9] =	wrdreg s29  }
0x12: {  	s31 =	sadd.s32 s28, s8;
	s24 =	simm.s32 $0x0;
	[dreg:$0xa] =	wrdreg s30  }
0x13: {  	s26 =	sadd.s32 s10, s8;
	[dreg:$0x7] =	wrdreg s0;
	s8 =	smax.u32 s9, $0x1  }
0x14: {  	[dreg:$0x8] =	wrdreg s31;
	s9 =	simm.s32 $0x9;
	s10 =	simm.s32 $0x2000  }
0x15: {  	s21 =	simm.s32 $0x6;
	s22 =	simm.s32 $0x7;
	[dreg:$0x6] =	wrdreg s26  }
.LBB2_1:
0x16: {  	[tilespmem:s3], [sflag:$0x9] =	stream.linear.gather [hbm4b:s5+s3], $0x2000, $0x38;
	[tilespmem:$0x10000] =	vst v63  }
0x17: {  	_ =	swait.ge [sflag:s9], $0x2000  }
0x18: {  	[sflag:s9] =	ssyncset.done $0x0  }
0x19: {  	[sflag:s9] =	ssyncadd.s32 $0xFFFFE000  }
0x1a: {  	[tilespmem:s11], [sflag:$0x1] =	stream.indirect.gather [hbm4b:s1+s10], $0x1, s3, s10, $0xb8;
	[tilespmem:$0x10000] =	vst v63  }
0x1b: {  	s0 =	rddreg [dreg:$0x9]  }
0x1c: {  	[tilespmem:s10], [sflag:$0x9] =	stream.linear.gather [hbm4b:s0+s3], $0x2000, $0x38;
	[tilespmem:$0x10000] =	vst v63  }
0x1d: {  	_ =	swait.ge [sflag:s9], $0x2000  }
0x1e: {  	[sflag:s9] =	ssyncset.done $0x0  }
0x1f: {  	s2 =	simm.s32 $0xA000;
	[sflag:s9] =	ssyncadd.s32 $0xFFFFE000  }
0x20: {  	[tilespmem:s2], [sflag:$0x2] =	stream.indirect.gather [hbm4b:s1+s10], $0x1, s10, s10, $0xb8;
	[tilespmem:$0x10000] =	vst v63  }
0x21: {  	s6 =	rddreg [dreg:$0xa]  }
0x22: {  	[tilespmem:s13], [sflag:$0x9] =	stream.linear.gather [hbm4b:s6+s3], $0x2000, $0x38;
	[tilespmem:$0x10000] =	vst v63  }
0x23: {  	_ =	swait.ge [sflag:s9], $0x2000  }
0x24: {  	[sflag:s9] =	ssyncset.done $0x0  }
0x25: {  	s7 =	rddreg [dreg:$0x8];
	[sflag:s9] =	ssyncadd.s32 $0xFFFFE000  }
0x26: {  	[tilespmem:s14], [sflag:$0x3] =	stream.indirect.gather [hbm4b:s1+s10], $0x1, s13, s10, $0xb8;
	[tilespmem:$0x10000] =	vst v63  }
0x27: {  	s0 =	sadd.s32 $0x0, s7  }
0x28: {  	[tilespmem:s15], [sflag:$0x9] =	stream.linear.gather [hbm4b:s0+s3], $0x2000, $0x38;
	[tilespmem:$0x10000] =	vst v63  }
0x29: {  	_ =	swait.ge [sflag:s9], $0x2000  }
0x2a: {  	p0 =	por $0x1, $0x1;
	[sflag:s9] =	ssyncset.done $0x0  }
0x2b: {  	s0 =	simm.s32 @!p0 $0x8;
	[sflag:s9] =	ssyncadd.s32 $0xFFFFE000  }
0x2c: {  	_ =	swait.ge @!p0 [sflag:s0], $0x2000  }
0x2d: {  	[sflag:s0] =	ssyncset.done @!p0 $0x0  }
0x2e: {  	[sflag:s0] =	ssyncadd.s32 @!p0 $0xFFFFE000  }
0x2f: {  	[tilespmem:s16], [sflag:$0x4] =	stream.indirect.gather [hbm4b:s1+s10], $0x1, s15, s10, $0xb8;
	[tilespmem:$0x10000] =	vst v63  }
0x30: {  	_ =	swait.ge [sflag:s17], $0x2000  }
0x31: {  	p0 =	por $0x0, $0x0;
	[sflag:s17] =	ssyncset.done $0x0  }
0x32: {  	s12 =	sadd.s32 $0x0, s4;
	s25 =	simm.s32 @p0 $0x2;
	[sflag:s17] =	ssyncadd.s32 $0xFFFFE000  }
0x33: {  	[hbm4b:s12+s3] =	stream.linear.scatter [tilespmem:s11], [sflag:$0x5], $0x2000, $0x38;
	[tilespmem:$0x10000] =	vst v63  }
0x34: {  	_ =	swait.ge @p0 [sflag:s25], $0x2000  }
0x35: {  	s29 =	simm.s32 @p0 $0xA000;
	s26 =	rddreg [dreg:$0x3];
	[sflag:s25] =	ssyncset.done @p0 $0x0  }
0x36: {  	s28 =	rddreg [dreg:$0x4];
	[sflag:s25] =	ssyncadd.s32 @p0 $0xFFFFE000;
	s25 =	simm.s32 @p0 $0x0  }
0x37: {  	[hbm4b:s26+s25] =	stream.linear.scatter @p0 [tilespmem:s29], [sflag:$0x6], $0x2000, $0x38;
	[tilespmem:$0x10000] =	vst v63  }
0x38: {  	s25 =	simm.s32 @!p0 $0x0;
	s26 =	sadd.s32 @!p0 $0x0, s28;
	s28 =	simm.s32 @!p0 $0x9  }
0x39: {  	[tilespmem:s25], [sflag:$0x9] =	stream.linear.gather @!p0 [hbm4b:s26+s25], $0x2000, $0x38;
	[tilespmem:$0x10000] =	vst v63  }
0x3a: {  	_ =	swait.ge @!p0 [sflag:s28], $0x2000  }
0x3b: {  	[sflag:s28] =	ssyncset.done @!p0 $0x0  }
0x3c: {  	s26 =	simm.s32 @!p0 $0x5;
	[sflag:s28] =	ssyncadd.s32 @!p0 $0xFFFFE000  }
0x3d: {  	_ =	swait.ge @!p0 [sflag:s26], $0x2000  }
0x3e: {  	s30 =	simm.s32 @!p0 $0x8000;
	[sflag:s26] =	ssyncset.done @!p0 $0x0  }
0x3f: {  	s29 =	simm.s32 @!p0 $0x2000;
	[sflag:s26] =	ssyncadd.s32 @!p0 $0xFFFFE000;
	s26 =	simm.s32 @!p0 $0x2  }
0x40: {  	[tilespmem:s30], [sflag:$0x1] =	stream.indirect.gather @!p0 [hbm4b:s1+s29], $0x1, s25, s29, $0xb8;
	[tilespmem:$0x10000] =	vst v63  }
0x41: {  	s30 =	sadd.s32 @!p0 $0x0, s4;
	_ =	swait.ge @!p0 [sflag:s26], $0x2000  }
0x42: {  	s30 =	sadd.s32 @!p0 $0x400, s30;
	[sflag:s26] =	ssyncset.done @!p0 $0x0  }
0x43: {  	s31 =	rddreg [dreg:$0x5];
	[sflag:s26] =	ssyncadd.s32 @!p0 $0xFFFFE000;
	s26 =	simm.s32 @!p0 $0xA000  }
0x44: {  	[hbm4b:s30+s25] =	stream.linear.scatter @!p0 [tilespmem:s26], [sflag:$0x6], $0x2000, $0x38;
	[tilespmem:$0x10000] =	vst v63  }
0x45: {  	s30 =	sadd.s32 @!p0 $0x0, s31  }
0x46: {  	[tilespmem:s29], [sflag:$0x9] =	stream.linear.gather @!p0 [hbm4b:s30+s25], $0x2000, $0x38;
	[tilespmem:$0x10000] =	vst v63  }
0x47: {  	_ =	swait.ge @!p0 [sflag:s28], $0x2000  }
0x48: {  	[sflag:s28] =	ssyncset.done @!p0 $0x0  }
0x49: {  	s30 =	simm.s32 @!p0 $0x6;
	[sflag:s28] =	ssyncadd.s32 @!p0 $0xFFFFE000  }
0x4a: {  	_ =	swait.ge @!p0 [sflag:s30], $0x2000  }
0x4b: {  	[sflag:s30] =	ssyncset.done @!p0 $0x0  }
0x4c: {  	[sflag:s30] =	ssyncadd.s32 @!p0 $0xFFFFE000  }
0x4d: {  	[tilespmem:s26], [sflag:$0x2] =	stream.indirect.gather @!p0 [hbm4b:s1+s29], $0x1, s29, s29, $0xb8;
	[tilespmem:$0x10000] =	vst v63  }
0x4e: {  	_ =	swait.ge [sflag:s18], $0x2000  }
0x4f: {  	[sflag:s18] =	ssyncset.done $0x0  }
0x50: {  	s0 =	sadd.s32 $0x800, s12;
	s26 =	rddreg [dreg:$0x6];
	[sflag:s18] =	ssyncadd.s32 $0xFFFFE000  }
0x51: {  	[hbm4b:s0+s3] =	stream.linear.scatter [tilespmem:s14], [sflag:$0x7], $0x2000, $0x38;
	[tilespmem:$0x10000] =	vst v63  }
0x52: {  	s26 =	sadd.s32 @!p0 $0x0, s26;
	s0 =	simm.s32 @!p0 $0x4000  }
0x53: {  	[tilespmem:s0], [sflag:$0x9] =	stream.linear.gather @!p0 [hbm4b:s26+s25], $0x2000, $0x38;
	[tilespmem:$0x10000] =	vst v63  }
0x54: {  	_ =	swait.ge @!p0 [sflag:s28], $0x2000  }
0x55: {  	[sflag:s28] =	ssyncset.done @!p0 $0x0  }
0x56: {  	s25 =	simm.s32 @!p0 $0x7;
	[sflag:s28] =	ssyncadd.s32 @!p0 $0xFFFFE000  }
0x57: {  	_ =	swait.ge @!p0 [sflag:s25], $0x2000  }
0x58: {  	[sflag:s25] =	ssyncset.done @!p0 $0x0  }
0x59: {  	s26 =	simm.s32 @!p0 $0xC000;
	[sflag:s25] =	ssyncadd.s32 @!p0 $0xFFFFE000  }
0x5a: {  	[tilespmem:s26], [sflag:$0x3] =	stream.indirect.gather @!p0 [hbm4b:s1+s29], $0x1, s0, s29, $0xb8;
	[tilespmem:$0x10000] =	vst v63  }
0x5b: {  	s28 =	simm.s32 $0x0;
	_ =	swait.ge [sflag:s19], $0x2000  }
0x5c: {  	s25 =	simm.s32 $0x1000;
	[sflag:s19] =	ssyncset.done $0x0;
	s29 =	rddreg [dreg:$0x7]  }
0x5d: {  	s26 =	simm.s32 $0x2000;
	s0 =	rddreg [dreg:$0x8];
	[sflag:s19] =	ssyncadd.s32 $0xFFFFE000  }
.LBB2_2:
0x5e: {  	s29 =	sadd.s32 s28, s29;
	s28 =	smov.u32 s25  }
0x5f: {  	[hbm4b:s29+s3] =	stream.linear.scatter [tilespmem:s16], [sflag:$0x8], $0x2000, $0x38;
	[tilespmem:$0x10000] =	vst v63  }
0x60: {  	s0 =	sadd.s32 s28, s0  }
0x61: {  	[tilespmem:s15], [sflag:$0x9] =	stream.linear.gather [hbm4b:s0+s3], $0x2000, $0x38;
	[tilespmem:$0x10000] =	vst v63  }
0x62: {  	_ =	swait.ge [sflag:s9], $0x2000  }
0x63: {  	p1 =	seq.s32 s28, $0x0;
	[sflag:s9] =	ssyncset.done $0x0  }
0x64: {  	s0 =	simm.s32 @!p1 $0x8;
	[sflag:s9] =	ssyncadd.s32 $0xFFFFE000  }
0x65: {  	_ =	swait.ge @!p1 [sflag:s0], $0x2000  }
0x66: {  	[sflag:s0] =	ssyncset.done @!p1 $0x0  }
0x67: {  	[sflag:s0] =	ssyncadd.s32 @!p1 $0xFFFFE000  }
0x68: {  	[tilespmem:s16], [sflag:$0x4] =	stream.indirect.gather [hbm4b:s1+s10], $0x1, s15, s10, $0xb8;
	[tilespmem:$0x10000] =	vst v63  }
0x69: {  	_ =	swait.ge [sflag:s17], $0x2000  }
0x6a: {  	p1 =	seq.s32 s28, $0x3000;
	[sflag:s17] =	ssyncset.done $0x0  }
0x6b: {  	s29 =	sadd.s32 s28, s4;
	s0 =	simm.s32 @p1 $0x2;
	[sflag:s17] =	ssyncadd.s32 $0xFFFFE000  }
0x6c: {  	[hbm4b:s29+s3] =	stream.linear.scatter [tilespmem:s11], [sflag:$0x5], $0x2000, $0x38;
	[tilespmem:$0x10000] =	vst v63  }
0x6d: {  	s30 =	sadd.s32 @!p1 s28, s4;
	s12 =	simm.s32 @p1 $0x0;
	_ =	swait.ge @p1 [sflag:s0], $0x2000  }
0x6e: {  	s2 =	sadd.s32 @!p1 $0x400, s30;
	[sflag:s0] =	ssyncset.done @p1 $0x0;
	s30 =	rddreg [dreg:$0x3]  }
0x6f: {  	s6 =	simm.s32 @p1 $0xA000;
	[sflag:s0] =	ssyncadd.s32 @p1 $0xFFFFE000;
	s0 =	rddreg [dreg:$0x4]  }
0x70: {  	[hbm4b:s30+s12] =	stream.linear.scatter @p1 [tilespmem:s6], [sflag:$0x6], $0x2000, $0x38;
	[tilespmem:$0x10000] =	vst v63  }
0x71: {  	s31 =	simm.s32 @!p1 $0x0;
	s0 =	sadd.s32 @!p1 s28, s0;
	s30 =	simm.s32 @!p1 $0x9  }
0x72: {  	[tilespmem:s31], [sflag:$0x9] =	stream.linear.gather @!p1 [hbm4b:s0+s31], $0x2000, $0x38;
	[tilespmem:$0x10000] =	vst v63  }
0x73: {  	_ =	swait.ge @!p1 [sflag:s30], $0x2000  }
0x74: {  	[sflag:s30] =	ssyncset.done @!p1 $0x0  }
0x75: {  	s6 =	simm.s32 @!p1 $0x5;
	[sflag:s30] =	ssyncadd.s32 @!p1 $0xFFFFE000  }
0x76: {  	_ =	swait.ge @!p1 [sflag:s6], $0x2000  }
0x77: {  	s12 =	simm.s32 @!p1 $0x8000;
	[sflag:s6] =	ssyncset.done @!p1 $0x0  }
0x78: {  	s0 =	simm.s32 @!p1 $0x2000;
	[sflag:s6] =	ssyncadd.s32 @!p1 $0xFFFFE000;
	s6 =	simm.s32 @!p1 $0x2  }
0x79: {  	[tilespmem:s12], [sflag:$0x1] =	stream.indirect.gather @!p1 [hbm4b:s1+s0], $0x1, s31, s0, $0xb8;
	[tilespmem:$0x10000] =	vst v63  }
0x7a: {  	_ =	swait.ge @!p1 [sflag:s6], $0x2000  }
0x7b: {  	[sflag:s6] =	ssyncset.done @!p1 $0x0  }
0x7c: {  	s12 =	simm.s32 @!p1 $0xA000;
	s7 =	rddreg [dreg:$0x5];
	[sflag:s6] =	ssyncadd.s32 @!p1 $0xFFFFE000  }
0x7d: {  	[hbm4b:s2+s31] =	stream.linear.scatter @!p1 [tilespmem:s12], [sflag:$0x6], $0x2000, $0x38;
	[tilespmem:$0x10000] =	vst v63  }
0x7e: {  	s2 =	sadd.s32 @!p1 s28, s7  }
0x7f: {  	[tilespmem:s0], [sflag:$0x9] =	stream.linear.gather @!p1 [hbm4b:s2+s31], $0x2000, $0x38;
	[tilespmem:$0x10000] =	vst v63  }
0x80: {  	_ =	swait.ge @!p1 [sflag:s30], $0x2000  }
0x81: {  	[sflag:s30] =	ssyncset.done @!p1 $0x0  }
0x82: {  	s2 =	simm.s32 @!p1 $0x6;
	[sflag:s30] =	ssyncadd.s32 @!p1 $0xFFFFE000  }
0x83: {  	_ =	swait.ge @!p1 [sflag:s2], $0x2000  }
0x84: {  	[sflag:s2] =	ssyncset.done @!p1 $0x0  }
0x85: {  	[sflag:s2] =	ssyncadd.s32 @!p1 $0xFFFFE000  }
0x86: {  	[tilespmem:s12], [sflag:$0x2] =	stream.indirect.gather @!p1 [hbm4b:s1+s0], $0x1, s0, s0, $0xb8;
	[tilespmem:$0x10000] =	vst v63  }
0x87: {  	_ =	swait.ge [sflag:s18], $0x2000  }
0x88: {  	[sflag:s18] =	ssyncset.done $0x0  }
0x89: {  	s12 =	sadd.s32 $0x800, s29;
	s6 =	rddreg [dreg:$0x6];
	[sflag:s18] =	ssyncadd.s32 $0xFFFFE000  }
0x8a: {  	[hbm4b:s12+s3] =	stream.linear.scatter [tilespmem:s14], [sflag:$0x7], $0x2000, $0x38;
	[tilespmem:$0x10000] =	vst v63  }
0x8b: {  	s7 =	simm.s32 @!p1 $0x4000;
	s2 =	sadd.s32 @!p1 s28, s6  }
0x8c: {  	[tilespmem:s7], [sflag:$0x9] =	stream.linear.gather @!p1 [hbm4b:s2+s31], $0x2000, $0x38;
	[tilespmem:$0x10000] =	vst v63  }
0x8d: {  	_ =	swait.ge @!p1 [sflag:s30], $0x2000  }
0x8e: {  	[sflag:s30] =	ssyncset.done @!p1 $0x0  }
0x8f: {  	s2 =	simm.s32 @!p1 $0x7;
	[sflag:s30] =	ssyncadd.s32 @!p1 $0xFFFFE000  }
0x90: {  	s25 =	smov.u32 s26;
	s26 =	sadd.s32 $0x1000, s26;
	_ =	swait.ge @!p1 [sflag:s2], $0x2000  }
0x91: {  	p0 =	sne.s32 s26, $0x4000;
	[sflag:s2] =	ssyncset.done @!p1 $0x0  }
.Ltmp0:
0x92: {  	s6 =	simm.s32 @!p1 $0xC000;
	[sflag:s2] =	ssyncadd.s32 @!p1 $0xFFFFE000;
	(pc) =	sbr.rel @p0 .LBB2_2-.Ltmp0, $4  }
0x93: {  	[tilespmem:s6], [sflag:$0x3] =	stream.indirect.gather @!p1 [hbm4b:s1+s0], $0x1, s7, s0, $0xb8;
	[tilespmem:$0x10000] =	vst v63  }
0x94: {  	_ =	swait.ge [sflag:s19], $0x2000  }
0x95: {  	[sflag:s19] =	ssyncset.done $0x0;
	s29 =	rddreg [dreg:$0x7]  }
0x96: {  	s0 =	rddreg [dreg:$0x8];
	[sflag:s19] =	ssyncadd.s32 $0xFFFFE000  }
0x97: {  	s2 =	sadd.s32 s28, s29  }
0x98: {  	[hbm4b:s2+s3] =	stream.linear.scatter [tilespmem:s16], [sflag:$0x8], $0x2000, $0x38;
	[tilespmem:$0x10000] =	vst v63  }
0x99: {  	s0 =	sadd.s32 s25, s0  }
0x9a: {  	[tilespmem:s15], [sflag:$0x9] =	stream.linear.gather [hbm4b:s0+s3], $0x2000, $0x38;
	[tilespmem:$0x10000] =	vst v63  }
0x9b: {  	_ =	swait.ge [sflag:s9], $0x2000  }
0x9c: {  	p0 =	seq.s32 s25, $0x0;
	[sflag:s9] =	ssyncset.done $0x0  }
0x9d: {  	s0 =	simm.s32 @!p0 $0x8;
	[sflag:s9] =	ssyncadd.s32 $0xFFFFE000  }
0x9e: {  	_ =	swait.ge @!p0 [sflag:s0], $0x2000  }
0x9f: {  	[sflag:s0] =	ssyncset.done @!p0 $0x0  }
0xa0: {  	[sflag:s0] =	ssyncadd.s32 @!p0 $0xFFFFE000  }
0xa1: {  	[tilespmem:s16], [sflag:$0x4] =	stream.indirect.gather [hbm4b:s1+s10], $0x1, s15, s10, $0xb8;
	[tilespmem:$0x10000] =	vst v63  }
0xa2: {  	_ =	swait.ge [sflag:s17], $0x2000  }
0xa3: {  	p0 =	seq.s32 s25, $0x3000;
	[sflag:s17] =	ssyncset.done $0x0  }
0xa4: {  	s30 =	sadd.s32 s25, s4;
	s2 =	simm.s32 @p0 $0x2;
	[sflag:s17] =	ssyncadd.s32 $0xFFFFE000  }
0xa5: {  	[hbm4b:s30+s3] =	stream.linear.scatter [tilespmem:s11], [sflag:$0x5], $0x2000, $0x38;
	[tilespmem:$0x10000] =	vst v63  }
0xa6: {  	_ =	swait.ge @p0 [sflag:s2], $0x2000  }
0xa7: {  	s12 =	simm.s32 @p0 $0xA000;
	s6 =	rddreg [dreg:$0x3];
	[sflag:s2] =	ssyncset.done @p0 $0x0  }
0xa8: {  	s7 =	rddreg [dreg:$0x4];
	[sflag:s2] =	ssyncadd.s32 @p0 $0xFFFFE000;
	s2 =	simm.s32 @p0 $0x0  }
0xa9: {  	[hbm4b:s6+s2] =	stream.linear.scatter @p0 [tilespmem:s12], [sflag:$0x6], $0x2000, $0x38;
	[tilespmem:$0x10000] =	vst v63  }
0xaa: {  	s2 =	simm.s32 @!p0 $0x0;
	s6 =	sadd.s32 @!p0 s25, s7;
	s7 =	simm.s32 @!p0 $0x9  }
0xab: {  	[tilespmem:s2], [sflag:$0x9] =	stream.linear.gather @!p0 [hbm4b:s6+s2], $0x2000, $0x38;
	[tilespmem:$0x10000] =	vst v63  }
0xac: {  	_ =	swait.ge @!p0 [sflag:s7], $0x2000  }
0xad: {  	[sflag:s7] =	ssyncset.done @!p0 $0x0  }
0xae: {  	s6 =	simm.s32 @!p0 $0x5;
	[sflag:s7] =	ssyncadd.s32 @!p0 $0xFFFFE000  }
0xaf: {  	_ =	swait.ge @!p0 [sflag:s6], $0x2000  }
0xb0: {  	s26 =	simm.s32 @!p0 $0x8000;
	[sflag:s6] =	ssyncset.done @!p0 $0x0  }
0xb1: {  	s12 =	simm.s32 @!p0 $0x2000;
	[sflag:s6] =	ssyncadd.s32 @!p0 $0xFFFFE000;
	s6 =	simm.s32 @!p0 $0x2  }
0xb2: {  	[tilespmem:s26], [sflag:$0x1] =	stream.indirect.gather @!p0 [hbm4b:s1+s12], $0x1, s2, s12, $0xb8;
	[tilespmem:$0x10000] =	vst v63  }
0xb3: {  	s26 =	sadd.s32 @!p0 s25, s4;
	_ =	swait.ge @!p0 [sflag:s6], $0x2000  }
0xb4: {  	s26 =	sadd.s32 @!p0 $0x400, s26;
	[sflag:s6] =	ssyncset.done @!p0 $0x0  }
0xb5: {  	s28 =	rddreg [dreg:$0x5];
	[sflag:s6] =	ssyncadd.s32 @!p0 $0xFFFFE000;
	s6 =	simm.s32 @!p0 $0xA000  }
0xb6: {  	[hbm4b:s26+s2] =	stream.linear.scatter @!p0 [tilespmem:s6], [sflag:$0x6], $0x2000, $0x38;
	[tilespmem:$0x10000] =	vst v63  }
0xb7: {  	s26 =	sadd.s32 @!p0 s25, s28  }
0xb8: {  	[tilespmem:s12], [sflag:$0x9] =	stream.linear.gather @!p0 [hbm4b:s26+s2], $0x2000, $0x38;
	[tilespmem:$0x10000] =	vst v63  }
0xb9: {  	_ =	swait.ge @!p0 [sflag:s7], $0x2000  }
0xba: {  	[sflag:s7] =	ssyncset.done @!p0 $0x0  }
0xbb: {  	s26 =	simm.s32 @!p0 $0x6;
	[sflag:s7] =	ssyncadd.s32 @!p0 $0xFFFFE000  }
0xbc: {  	_ =	swait.ge @!p0 [sflag:s26], $0x2000  }
0xbd: {  	[sflag:s26] =	ssyncset.done @!p0 $0x0  }
0xbe: {  	[sflag:s26] =	ssyncadd.s32 @!p0 $0xFFFFE000  }
0xbf: {  	[tilespmem:s6], [sflag:$0x2] =	stream.indirect.gather @!p0 [hbm4b:s1+s12], $0x1, s12, s12, $0xb8;
	[tilespmem:$0x10000] =	vst v63  }
0xc0: {  	_ =	swait.ge [sflag:s18], $0x2000  }
0xc1: {  	[sflag:s18] =	ssyncset.done $0x0  }
0xc2: {  	s0 =	sadd.s32 $0x800, s30;
	s6 =	rddreg [dreg:$0x6];
	[sflag:s18] =	ssyncadd.s32 $0xFFFFE000  }
0xc3: {  	[hbm4b:s0+s3] =	stream.linear.scatter [tilespmem:s14], [sflag:$0x7], $0x2000, $0x38;
	[tilespmem:$0x10000] =	vst v63  }
0xc4: {  	s6 =	sadd.s32 @!p0 s25, s6;
	s0 =	simm.s32 @!p0 $0x4000  }
0xc5: {  	[tilespmem:s0], [sflag:$0x9] =	stream.linear.gather @!p0 [hbm4b:s6+s2], $0x2000, $0x38;
	[tilespmem:$0x10000] =	vst v63  }
0xc6: {  	_ =	swait.ge @!p0 [sflag:s7], $0x2000  }
0xc7: {  	[sflag:s7] =	ssyncset.done @!p0 $0x0  }
0xc8: {  	s2 =	simm.s32 @!p0 $0x7;
	[sflag:s7] =	ssyncadd.s32 @!p0 $0xFFFFE000  }
0xc9: {  	_ =	swait.ge @!p0 [sflag:s2], $0x2000  }
0xca: {  	[sflag:s2] =	ssyncset.done @!p0 $0x0  }
0xcb: {  	[sflag:s2] =	ssyncadd.s32 @!p0 $0xFFFFE000;
	s2 =	simm.s32 @!p0 $0xC000  }
0xcc: {  	[tilespmem:s2], [sflag:$0x3] =	stream.indirect.gather @!p0 [hbm4b:s1+s12], $0x1, s0, s12, $0xb8;
	[tilespmem:$0x10000] =	vst v63  }
0xcd: {  	_ =	swait.ge [sflag:s19], $0x2000  }
0xce: {  	s31 =	rddreg [dreg:$0x7];
	[sflag:s19] =	ssyncset.done $0x0  }
0xcf: {  	s0 =	sadd.s32 s25, s31;
	[sflag:s19] =	ssyncadd.s32 $0xFFFFE000  }
0xd0: {  	[hbm4b:s0+s3] =	stream.linear.scatter [tilespmem:s16], [sflag:$0x8], $0x2000, $0x38;
	[tilespmem:$0x10000] =	vst v63  }
0xd1: {  	_ =	swait.ge [sflag:s20], $0x2000  }
0xd2: {  	[sflag:s20] =	ssyncset.done $0x0  }
0xd3: {  	[sflag:s20] =	ssyncadd.s32 $0xFFFFE000  }
0xd4: {  	_ =	swait.ge [sflag:s21], $0x2000  }
0xd5: {  	[sflag:s21] =	ssyncset.done $0x0  }
0xd6: {  	s24 =	sadd.s32 $0x1, s24;
	[sflag:s21] =	ssyncadd.s32 $0xFFFFE000  }
0xd7: {  	p0 =	sne.s32 s24, s8;
	_ =	swait.ge [sflag:s22], $0x2000  }
.Ltmp1:
0xd8: {  	[sflag:s22] =	ssyncset.done $0x0;
	(pc) =	sbr.rel @p0 .LBB2_1-.Ltmp1, $4  }
0xd9: {  	[sflag:s22] =	ssyncadd.s32 $0xFFFFE000  }
0xda: {  	_ =	swait.ge [sflag:s23], $0x2000  }
0xdb: {  	[sflag:s23] =	ssyncset.done $0x0  }
0xdc: {  	[sflag:s23] =	ssyncadd.s32 $0xFFFFE000  }
0xdd: {  	_ =	sfence.sel $0x180000  }
0xde: {  	[bflag:$0x0] =	sbarrier.arrive $0xFFFF  }
0xdf: {  	_ =	strace $0x9000004A  }
0xe0: {  	s0 =	stileid.u32;
	[bflag:$0x2] =	sbarrier.arrive $0xFFFF  }
0xe1: {  	p0 =	sne.s32 s0, $0x0;
	s0 =	rddreg [dreg:$0x2]  }
0xe2: {  	s0 =	sadd.s32 @!p0 $0x100000, s0  }
0xe3: {  	[sflag:s0] =	ssyncadd.tile.s32 @!p0 $0x1;
	_ =	shalt  }
.Lfunc_end2:
_tile_overlayer_lowered:
.L_overlay_start_2:
0xe4: {  	(tag) =	ssettag $0x2  }
0xe5: {  	s0 =	rddreg [dreg:$0x0];
	s2 =	stileid.u32  }
0xe6: {  	s1 =	rddreg [dreg:$0x1];
	p0 =	sne.s32 s2, $0x0  }
0xe7: {  	s3 =	rddreg [dreg:$0x2];
	[bflag:$0x3] =	sbarrier.arrive $0xFFFF;
	s2 =	simm.s32 @!p0 $0x1C09  }
0xe8: {  	[timem:s3], [sflag:s2] =	dma.local @!p0 [hbm:s0], s1  }
0xe9: {  	s0 =	simm.s32 @!p0 $0x9  }
0xea: {  	_ =	swait.ge @!p0 [sflag:s0], s1  }
0xeb: {  	s1 =	ssub.s32 @!p0 $0x0, s1;
	[sflag:s0] =	ssyncset.done @!p0 $0x0  }
0xec: {  	[sflag:s0] =	ssyncadd.s32 @!p0 s1  }
0xed: {  	[bflag:$0x3] =	sbarrier.arrive $0xFFFF  }
0xee: {  	_ =	shalt  }

// kernel: kernel.8.cloned.1.call-start
scs
__scs_entry_jumppad:
0x0: {  	(pc) =	sbr.rel $0x88, $3  }
0x1: {  	(tag) =	ssettag $0x0;
	lr =	simm.s32 $0x1  }
0x2: {  	[smem:$0x3F99] =	sst lr;
	_ =	strace $0xD0000000  }
0x3: {  	_ = 	snop  }
0x4: {  	_ = 	snop  }
0x5: {  	_ = 	snop  }
0x6: {  	_ = 	snop  }
0x7: {  	_ = 	snop  }
__scs_overlays_trampoline_lowered:
0x8: {  	[smem:$0x3FA8] =	sst s0  }
0x9: {  	[smem:$0x3FA9] =	sst s1  }
0xa: {  	[smem:$0x3FAA] =	sst s2  }
0xb: {  	[smem:$0x3FAB] =	sst s3  }
0xc: {  	[smem:$0x3FAC] =	sst s4  }
0xd: {  	[smem:$0x3FAD] =	sst s5  }
0xe: {  	[smem:$0x3FAE] =	sst s6  }
0xf: {  	[smem:$0x3FAF] =	sst s7  }
0x10: {  	[smem:$0x3FB0] =	sst s8  }
0x11: {  	[smem:$0x3FB1] =	sst s9;
	s0 =	simm.s32 @!p0 $0x0  }
0x12: {  	s1 =	sld [smem:$0x3F97];
	s0 =	simm.s32 @p0 $0x1  }
0x13: {  	[smem:$0x3FB2] =	sst s0;
	s0 =	simm.s32 @!p1 $0x0  }
0x14: {  	s2 =	sld [smem:$0x3F96];
	s0 =	simm.s32 @p1 $0x1  }
0x15: {  	[smem:$0x3FB3] =	sst s0;
	s0 =	simm.s32 @!p2 $0x0  }
0x16: {  	s3 =	sld [smem:$0x3FDB];
	s0 =	simm.s32 @p2 $0x1  }
0x17: {  	s4 =	simm.s32 $0x1BF5;
	[smem:$0x3FB5] =	sst s0  }
0x18: {  	s0 =	sld [smem:$0x3F98];
	_ =	swait.ge [sflag:s4], $0x0  }
0x19: {  	s7 =	sld [smem:$0x3F99]  }
0x1a: {  	s8 =	sadd.s32 $0xFFFFE003, lr  }
0x1b: {  	s9 =	sadd.s32 $0xFFFFFEF7, lr;
	s5 =	simm.s32 $0xFFFFFFFF;
	p2 =	slt.u32 s8, $0xFFFFF086  }
0x1c: {  	p1 =	slt.u32 s9, $0xF7A;
	s5 =	simm.s32 @!p2 $0x0  }
0x1d: {  	s5 =	simm.s32 @p1 $0x1;
	p0 =	seq.s32 s7, s2  }
0x1e: {  	s7 =	smul.u32 @!p0 $0xF7A, s2;
	p2 =	seq.s32 @!p0 s5, $0x0  }
0x1f: {  	s9 =	smul.u32 $0xF7A, s1;
	s8 =	simm.s32 @!p0 $0x1BF5;
	p2 =	por !p2, p0  }
0x20: {  	[sflag:s8] =	ssyncset.s32 @!p0 $0xFFFFF086;
	s6 =	sadd.s32 @!p0 s3, s7;
	s7 =	simm.s32 @!p0 $0x108  }
0x21: {  	s3 =	sadd.s32 s3, s9;
	s6 =	sadd.s32 @!p0 $0x88, s6;
	s7 =	simm.s32 @p2 $0x1082  }
0x22: {  	[simem:s7], [sflag:s8] =	dma.local @!p0 [hbm:s6], $0xF7A  }
0x23: {  	s9 =	sor.u32 $0xD0000000, s2;
	s6 =	simm.s32 $0x108;
	_ =	swait.ge @!p0 [sflag:s8], $0x0  }
0x24: {  	s3 =	sadd.s32 $0x88, s3;
	s6 =	simm.s32 @!p1 $0x1082;
	[sflag:s4] =	ssyncset.s32 $0xFFFFF086  }
0x25: {  	[simem:s6], [sflag:s4] =	dma.local [hbm:s3], $0xF7A  }
0x26: {  	[smem:$0x3F99] =	sst s1;
	(tag) =	ssettag s2;
	_ =	strace s9  }
0x27: {  	s1 =	sld [smem:$0x3FA9]  }
0x28: {  	s2 =	sld [smem:$0x3FAA]  }
0x29: {  	s4 =	sld [smem:$0x3FAC]  }
0x2a: {  	p0 =	seq.s32 s5, $0x0;
	s5 =	sld [smem:$0x3FAD]  }
0x2b: {  	s6 =	sld [smem:$0x3FAE]  }
0x2c: {  	s7 =	sld [smem:$0x3FAF]  }
0x2d: {  	s3 =	simm.s32 $0x108;
	s8 =	sld [smem:$0x3FB0]  }
0x2e: {  	s3 =	simm.s32 @!p0 $0x1082;
	s9 =	sld [smem:$0x3FB1]  }
0x2f: {  	lr =	sadd.s32 s0, s3;
	s0 =	sld [smem:$0x3FA8]  }
0x30: {  	s3 =	sld [smem:$0x3FAB]  }
0x31: {  	[smem:$0x3FB4] =	sst s10  }
0x32: {  	s10 =	sld [smem:$0x3FB2];
	_ =	sdelay $0x3  }
0x33: {  	p0 =	seq.s32 s10, $0x1;
	s10 =	sld [smem:$0x3FB4];
	_ =	sdelay $0x3  }
0x34: {  	[smem:$0x3FB4] =	sst s10  }
0x35: {  	s10 =	sld [smem:$0x3FB3];
	_ =	sdelay $0x3  }
0x36: {  	p1 =	seq.s32 s10, $0x1;
	s10 =	sld [smem:$0x3FB4];
	_ =	sdelay $0x3  }
0x37: {  	[smem:$0x3FB4] =	sst s10  }
0x38: {  	s10 =	sld [smem:$0x3FB5]  }
0x39: {  	_ = 	snop;
	(pc) =	sbr.ind lr, $3  }
0x3a: {  	_ = 	snop  }
0x3b: {  	_ = 	snop  }
0x3c: {  	p2 =	seq.s32 s10, $0x1;
	s10 =	sld [smem:$0x3FB4]  }
0x3d: {  	_ =	shalt  }
0x3e: {  	_ =	shalt  }
0x3f: {  	_ =	shalt  }
0x40: {  	_ =	shalt  }
0x41: {  	_ =	shalt  }
0x42: {  	_ =	shalt  }
0x43: {  	_ =	shalt  }
0x44: {  	_ =	shalt  }
0x45: {  	_ =	shalt  }
0x46: {  	_ =	shalt  }
0x47: {  	_ =	shalt  }
0x48: {  	_ =	shalt  }
0x49: {  	_ =	shalt  }
0x4a: {  	_ =	shalt  }
0x4b: {  	_ =	shalt  }
0x4c: {  	_ =	shalt  }
0x4d: {  	_ =	shalt  }
0x4e: {  	_ =	shalt  }
0x4f: {  	_ =	shalt  }
0x50: {  	_ =	shalt  }
0x51: {  	_ =	shalt  }
0x52: {  	_ =	shalt  }
0x53: {  	_ =	shalt  }
0x54: {  	_ =	shalt  }
0x55: {  	_ =	shalt  }
0x56: {  	_ =	shalt  }
0x57: {  	_ =	shalt  }
0x58: {  	_ =	shalt  }
0x59: {  	_ =	shalt  }
0x5a: {  	_ =	shalt  }
0x5b: {  	_ =	shalt  }
0x5c: {  	_ =	shalt  }
0x5d: {  	_ =	shalt  }
0x5e: {  	_ =	shalt  }
0x5f: {  	_ =	shalt  }
0x60: {  	_ =	shalt  }
0x61: {  	_ =	shalt  }
0x62: {  	_ =	shalt  }
0x63: {  	_ =	shalt  }
0x64: {  	_ =	shalt  }
0x65: {  	_ =	shalt  }
0x66: {  	_ =	shalt  }
0x67: {  	_ =	shalt  }
0x68: {  	_ =	shalt  }
0x69: {  	_ =	shalt  }
0x6a: {  	_ =	shalt  }
0x6b: {  	_ =	shalt  }
0x6c: {  	_ =	shalt  }
0x6d: {  	_ =	shalt  }
0x6e: {  	_ =	shalt  }
0x6f: {  	_ =	shalt  }
0x70: {  	_ =	shalt  }
0x71: {  	_ =	shalt  }
0x72: {  	_ =	shalt  }
0x73: {  	_ =	shalt  }
0x74: {  	_ =	shalt  }
0x75: {  	_ =	shalt  }
0x76: {  	_ =	shalt  }
0x77: {  	_ =	shalt  }
0x78: {  	_ =	shalt  }
0x79: {  	_ =	shalt  }
0x7a: {  	_ =	shalt  }
0x7b: {  	_ =	shalt  }
0x7c: {  	_ =	shalt  }
0x7d: {  	_ =	shalt  }
0x7e: {  	_ =	shalt  }
0x7f: {  	_ =	shalt  }
0x80: {  	_ =	shalt  }
0x81: {  	_ =	shalt  }
0x82: {  	_ =	shalt  }
0x83: {  	_ =	shalt  }
0x84: {  	_ =	shalt  }
0x85: {  	_ =	shalt  }
0x86: {  	_ =	shalt  }
0x87: {  	_ =	shalt  }
.Lfunc_end0:
.L_simem_size_0:
called_computation_lowered:
.L_overlay_start_0:
0x88: {  	s2 =	sld [smem:$0x3FD9]  }
0x89: {  	s3 =	sld [smem:$0x3FFE];
	_ =	sdelay $0x1  }
0x8a: {  	s1 =	srdreg.scid  }
0x8b: {  	s0 =	sand.u32 $0x1, s1  }
0x8c: {  	s17 =	sshll.u32 s0, $0xA;
	s2 =	sadd.s32 s3, s2  }
0x8d: {  	s2 =	sadd.s32 s2, s17  }
0x8e: {  	[smem:$0x3FC0] =	sst s2  }
0x8f: {  	_ = 	snop  }
0x90: {  	s2 =	sld [smem:$0x3FC8];
	(tm) =	ssettm $0x1  }
0x91: {  	s18 =	sld [smem:$0x3FFB];
	_ =	sdelay $0x3  }
0x92: {  	_ =	strace s18  }
0x93: {  	s3 =	sld [smem:$0x3FFC];
	_ =	sdelay $0x3  }
0x94: {  	_ =	strace s3  }
0x95: {  	s3 =	sld [smem:$0x3FFD];
	_ =	sdelay $0x3  }
0x96: {  	_ =	strace s3  }
0x97: {  	_ =	strace $0x8FFFFFFF  }
0x98: {  	s19 =	sld [smem:$0x3FDB];
	_ =	sdelay $0x1  }
0x99: {  	s4 =	simm.s32 $_scs_section_size  }
0x9a: {  	s5 =	simm.s32 $_size__tile_overlayer_lowered;
	s6 =	simm.s32 $_tile_overlayer_lowered  }
0x9b: {  	s22 =	simm.s32 $0x1BFF;
	s21 =	sshll.u32 s6, $0x1;
	s3 =	sadd.s32 s4, s19  }
0x9c: {  	s7 =	simm.s32 $0x0;
	s20 =	sshll.u32 s5, $0x1;
	s5 =	sadd.s32 s21, s3  }
0x9d: {  	[timem:s7], [sflag:s22] =	dma.local [hbm:s5], s20  }
0x9e: {  	_ =	swait.ge [sflag:s22], s20  }
0x9f: {  	s4 =	ssub.s32 $0x0, s20;
	[sflag:s22] =	ssyncset.done $0x0  }
0xa0: {  	[sflag:s22] =	ssyncadd.s32 s4;
	_ =	sdelay $0x1  }
0xa1: {  	s23 =	simm.s32 $0x1B8B  }
0xa2: {  	_ =	swait.ge [sflag:s23], $0x1  }
0xa3: {  	[sflag:s23] =	ssyncset.done $0x0  }
0xa4: {  	s25 =	simm.s32 $0x1B8E;
	s24 =	sld [smem:$0x3FFE];
	[sflag:s23] =	ssyncadd.s32 $0xFFFFFFFF  }
0xa5: {  	s26 =	simm.s32 $execute0_lowered;
	[smem:$0x3FD2] =	sst s25  }
0xa6: {  	s5 =	sshll.u32 s26, $0x1;
	_ =	strace $0x80000046;
	[dreg:$0x1] =	wrdreg $0xFFFFFFFF  }
0xa7: {  	s28 =	simm.s32 $_size_execute0_lowered;
	s3 =	sadd.s32 s3, s5;
	[dreg:$0x0] =	wrdreg $0x0  }
0xa8: {  	s5 =	sshll.u32 s28, $0x1;
	[dreg:$0x2] =	wrdreg s3  }
0xa9: {  	[dreg:$0x3] =	wrdreg s5  }
0xaa: {  	[dreg:$0x4] =	wrdreg $0xC0  }
0xab: {  	_ =	task [dreg:s7], $0x5FFFF  }
0xac: {  	[dreg:$0x1] =	wrdreg $0xFFFFFFFF  }
0xad: {  	[dreg:$0x0] =	wrdreg $0x60  }
0xae: {  	[dreg:$0x2] =	wrdreg s2  }
0xaf: {  	[dreg:$0x3] =	wrdreg s24  }
0xb0: {  	[dreg:$0x4] =	wrdreg $0x9  }
0xb1: {  	_ =	task.clear_ibuf [dreg:s7], $0x5FFFF;
	_ =	strace $0x90000046  }
0xb2: {  	s29 =	simm.s32 $0x9;
	_ =	strace $0x80000048  }
0xb3: {  	_ =	swait.ge [sflag:s29], $0x1  }
0xb4: {  	[sflag:s29] =	ssyncadd.s32 $0xFFFFFFFF  }
0xb5: {  	_ =	strace $0x90000048  }
0xb6: {  	_ =	sfence  }
0xb7: {  	s30 =	sld [smem:$0x0];
	_ =	sdelay $0x2  }
0xb8: {  	s31 =	sshll.u32 s1, $0xD;
	s1 =	sshrl.u32 s1, $0x2  }
0xb9: {  	s3 =	sand.u32 $0x4000, s31;
	s1 =	sadd.s32 s1, s30  }
0xba: {  	s0 =	sor.u32 s3, s0;
	s1 =	sshll.u32 s1, $0x11  }
0xbb: {  	s0 =	sor.u32 s1, s0  }
0xbc: {  	s0 =	sadd.s32 $0x8F2B, s0  }
0xbd: {  	[sflag:s0] =	ssyncadd.remote.s32 $0x1  }
0xbe: {  	_ =	sfence.sel $0xFFFF  }
0xbf: {  	[dreg:$0x0] =	wrdreg $0xFFFFFFFF;
	(pc) =	sbr.abs _section_cstart, $3  }
0xc0: {  	[dreg:$0x1] =	wrdreg $0xFFFFFFFF  }
0xc1: {  	_ =	task.clear_ibuf [dreg:s7], $0x2FFFF;
	_ =	strace $0x9FFFFFFF  }
0xc2: {  	(tm) =	ssettm $0x7FFFFFFF  }
0xc3: {  	_ =	shalt  }
tec
execute0_lowered:
.L_overlay_start_1:
0x0: {  	(tag) =	ssettag $0x1  }
0x1: {  	s1 =	rddreg [dreg:$0x0]  }
0x2: {  	s0 =	rddreg [dreg:$0x1]  }
0x3: {  	s3 =	simm.s32 $0x0;
	s4 =	srdreg.scid;
	s2 =	stileid.u32  }
0x4: {  	s11 =	simm.s32 $0x8000;
	s13 =	simm.s32 $0x4000;
	s14 =	simm.s32 $0xC000  }
0x5: {  	s15 =	simm.s32 $0x6000;
	s16 =	simm.s32 $0xE000;
	s17 =	simm.s32 $0x1  }
0x6: {  	s18 =	simm.s32 $0x3;
	s19 =	simm.s32 $0x4;
	[smem:$0x7FF] =	sst s3  }
0x7: {  	s4 =	sand.u32 $0x1, s4;
	s5 =	sshll.u32 s2, $0x12;
	s8 =	sadd.s32 $0x1E00, s0  }
0x8: {  	s0 =	sadd.s32 $0x81E00, s0;
	s6 =	sshll.u32 s4, $0x11;
	s4 =	ssub.s32 $0x2, s4  }
0x9: {  	_ =	strace $0x80000047;
	s6 =	sor.u32 s6, s5;
	s20 =	sshrl.u32 s4, $0x1  }
0xa: {  	s7 =	sshrl.u32 s6, $0x3;
	s9 =	ssub.s32 s4, s20;
	s10 =	sor.u32 $0x8000, s6  }
0xb: {  	s23 =	sor.u32 $0xA000, s6;
	s25 =	sor.u32 $0xC000, s6;
	s6 =	sor.u32 $0x6000, s6  }
0xc: {  	s20 =	simm.s32 $0x5;
	s4 =	sadd.s32 s7, s0;
	s5 =	sadd.s32 s8, s7  }
0xd: {  	s10 =	sshrl.u32 s10, $0x3;
	s24 =	sshrl.u32 s23, $0x3;
	s21 =	sadd.s32 $0x3400, s4  }
0xe: {  	s28 =	sshrl.u32 s6, $0x3;
	s22 =	sadd.s32 s10, s8;
	[dreg:$0x3] =	wrdreg s21  }
0xf: {  	s23 =	simm.s32 $0x8;
	s7 =	sadd.s32 s24, s8;
	[dreg:$0x4] =	wrdreg s22  }
0x10: {  	s10 =	sshrl.u32 s25, $0x3;
	s29 =	sadd.s32 $0x400, s5;
	[dreg:$0x5] =	wrdreg s7  }
0x11: {  	s0 =	sadd.s32 s28, s0;
	s30 =	sadd.s32 $0x800, s5;
	[dreg:$0x9] =	wrdreg s29  }
0x12: {  	s31 =	sadd.s32 s28, s8;
	s24 =	simm.s32 $0x0;
	[dreg:$0xa] =	wrdreg s30  }
0x13: {  	s26 =	sadd.s32 s10, s8;
	[dreg:$0x7] =	wrdreg s0;
	s8 =	smax.u32 s9, $0x1  }
0x14: {  	[dreg:$0x8] =	wrdreg s31;
	s9 =	simm.s32 $0x9;
	s10 =	simm.s32 $0x2000  }
0x15: {  	s21 =	simm.s32 $0x6;
	s22 =	simm.s32 $0x7;
	[dreg:$0x6] =	wrdreg s26  }
.LBB2_1:
0x16: {  	[tilespmem:s3], [sflag:$0x9] =	stream.linear.gather [hbm4b:s5+s3], $0x2000, $0x38;
	[tilespmem:$0x10000] =	vst v63  }
0x17: {  	_ =	swait.ge [sflag:s9], $0x2000  }
0x18: {  	[sflag:s9] =	ssyncset.done $0x0  }
0x19: {  	[sflag:s9] =	ssyncadd.s32 $0xFFFFE000  }
0x1a: {  	[tilespmem:s11], [sflag:$0x1] =	stream.indirect.gather [hbm4b:s1+s10], $0x1, s3, s10, $0xb8;
	[tilespmem:$0x10000] =	vst v63  }
0x1b: {  	s0 =	rddreg [dreg:$0x9]  }
0x1c: {  	[tilespmem:s10], [sflag:$0x9] =	stream.linear.gather [hbm4b:s0+s3], $0x2000, $0x38;
	[tilespmem:$0x10000] =	vst v63  }
0x1d: {  	_ =	swait.ge [sflag:s9], $0x2000  }
0x1e: {  	[sflag:s9] =	ssyncset.done $0x0  }
0x1f: {  	s2 =	simm.s32 $0xA000;
	[sflag:s9] =	ssyncadd.s32 $0xFFFFE000  }
0x20: {  	[tilespmem:s2], [sflag:$0x2] =	stream.indirect.gather [hbm4b:s1+s10], $0x1, s10, s10, $0xb8;
	[tilespmem:$0x10000] =	vst v63  }
0x21: {  	s6 =	rddreg [dreg:$0xa]  }
0x22: {  	[tilespmem:s13], [sflag:$0x9] =	stream.linear.gather [hbm4b:s6+s3], $0x2000, $0x38;
	[tilespmem:$0x10000] =	vst v63  }
0x23: {  	_ =	swait.ge [sflag:s9], $0x2000  }
0x24: {  	[sflag:s9] =	ssyncset.done $0x0  }
0x25: {  	s7 =	rddreg [dreg:$0x8];
	[sflag:s9] =	ssyncadd.s32 $0xFFFFE000  }
0x26: {  	[tilespmem:s14], [sflag:$0x3] =	stream.indirect.gather [hbm4b:s1+s10], $0x1, s13, s10, $0xb8;
	[tilespmem:$0x10000] =	vst v63  }
0x27: {  	s0 =	sadd.s32 $0x0, s7  }
0x28: {  	[tilespmem:s15], [sflag:$0x9] =	stream.linear.gather [hbm4b:s0+s3], $0x2000, $0x38;
	[tilespmem:$0x10000] =	vst v63  }
0x29: {  	_ =	swait.ge [sflag:s9], $0x2000  }
0x2a: {  	p0 =	por $0x1, $0x1;
	[sflag:s9] =	ssyncset.done $0x0  }
0x2b: {  	s0 =	simm.s32 @!p0 $0x8;
	[sflag:s9] =	ssyncadd.s32 $0xFFFFE000  }
0x2c: {  	_ =	swait.ge @!p0 [sflag:s0], $0x2000  }
0x2d: {  	[sflag:s0] =	ssyncset.done @!p0 $0x0  }
0x2e: {  	[sflag:s0] =	ssyncadd.s32 @!p0 $0xFFFFE000  }
0x2f: {  	[tilespmem:s16], [sflag:$0x4] =	stream.indirect.gather [hbm4b:s1+s10], $0x1, s15, s10, $0xb8;
	[tilespmem:$0x10000] =	vst v63  }
0x30: {  	_ =	swait.ge [sflag:s17], $0x2000  }
0x31: {  	p0 =	por $0x0, $0x0;
	[sflag:s17] =	ssyncset.done $0x0  }
0x32: {  	s12 =	sadd.s32 $0x0, s4;
	s25 =	simm.s32 @p0 $0x2;
	[sflag:s17] =	ssyncadd.s32 $0xFFFFE000  }
0x33: {  	[hbm4b:s12+s3] =	stream.linear.scatter [tilespmem:s11], [sflag:$0x5], $0x2000, $0x38;
	[tilespmem:$0x10000] =	vst v63  }
0x34: {  	_ =	swait.ge @p0 [sflag:s25], $0x2000  }
0x35: {  	s29 =	simm.s32 @p0 $0xA000;
	s26 =	rddreg [dreg:$0x3];
	[sflag:s25] =	ssyncset.done @p0 $0x0  }
0x36: {  	s28 =	rddreg [dreg:$0x4];
	[sflag:s25] =	ssyncadd.s32 @p0 $0xFFFFE000;
	s25 =	simm.s32 @p0 $0x0  }
0x37: {  	[hbm4b:s26+s25] =	stream.linear.scatter @p0 [tilespmem:s29], [sflag:$0x6], $0x2000, $0x38;
	[tilespmem:$0x10000] =	vst v63  }
0x38: {  	s25 =	simm.s32 @!p0 $0x0;
	s26 =	sadd.s32 @!p0 $0x0, s28;
	s28 =	simm.s32 @!p0 $0x9  }
0x39: {  	[tilespmem:s25], [sflag:$0x9] =	stream.linear.gather @!p0 [hbm4b:s26+s25], $0x2000, $0x38;
	[tilespmem:$0x10000] =	vst v63  }
0x3a: {  	_ =	swait.ge @!p0 [sflag:s28], $0x2000  }
0x3b: {  	[sflag:s28] =	ssyncset.done @!p0 $0x0  }
0x3c: {  	s26 =	simm.s32 @!p0 $0x5;
	[sflag:s28] =	ssyncadd.s32 @!p0 $0xFFFFE000  }
0x3d: {  	_ =	swait.ge @!p0 [sflag:s26], $0x2000  }
0x3e: {  	s30 =	simm.s32 @!p0 $0x8000;
	[sflag:s26] =	ssyncset.done @!p0 $0x0  }
0x3f: {  	s29 =	simm.s32 @!p0 $0x2000;
	[sflag:s26] =	ssyncadd.s32 @!p0 $0xFFFFE000;
	s26 =	simm.s32 @!p0 $0x2  }
0x40: {  	[tilespmem:s30], [sflag:$0x1] =	stream.indirect.gather @!p0 [hbm4b:s1+s29], $0x1, s25, s29, $0xb8;
	[tilespmem:$0x10000] =	vst v63  }
0x41: {  	s30 =	sadd.s32 @!p0 $0x0, s4;
	_ =	swait.ge @!p0 [sflag:s26], $0x2000  }
0x42: {  	s30 =	sadd.s32 @!p0 $0x400, s30;
	[sflag:s26] =	ssyncset.done @!p0 $0x0  }
0x43: {  	s31 =	rddreg [dreg:$0x5];
	[sflag:s26] =	ssyncadd.s32 @!p0 $0xFFFFE000;
	s26 =	simm.s32 @!p0 $0xA000  }
0x44: {  	[hbm4b:s30+s25] =	stream.linear.scatter @!p0 [tilespmem:s26], [sflag:$0x6], $0x2000, $0x38;
	[tilespmem:$0x10000] =	vst v63  }
0x45: {  	s30 =	sadd.s32 @!p0 $0x0, s31  }
0x46: {  	[tilespmem:s29], [sflag:$0x9] =	stream.linear.gather @!p0 [hbm4b:s30+s25], $0x2000, $0x38;
	[tilespmem:$0x10000] =	vst v63  }
0x47: {  	_ =	swait.ge @!p0 [sflag:s28], $0x2000  }
0x48: {  	[sflag:s28] =	ssyncset.done @!p0 $0x0  }
0x49: {  	s30 =	simm.s32 @!p0 $0x6;
	[sflag:s28] =	ssyncadd.s32 @!p0 $0xFFFFE000  }
0x4a: {  	_ =	swait.ge @!p0 [sflag:s30], $0x2000  }
0x4b: {  	[sflag:s30] =	ssyncset.done @!p0 $0x0  }
0x4c: {  	[sflag:s30] =	ssyncadd.s32 @!p0 $0xFFFFE000  }
0x4d: {  	[tilespmem:s26], [sflag:$0x2] =	stream.indirect.gather @!p0 [hbm4b:s1+s29], $0x1, s29, s29, $0xb8;
	[tilespmem:$0x10000] =	vst v63  }
0x4e: {  	_ =	swait.ge [sflag:s18], $0x2000  }
0x4f: {  	[sflag:s18] =	ssyncset.done $0x0  }
0x50: {  	s0 =	sadd.s32 $0x800, s12;
	s26 =	rddreg [dreg:$0x6];
	[sflag:s18] =	ssyncadd.s32 $0xFFFFE000  }
0x51: {  	[hbm4b:s0+s3] =	stream.linear.scatter [tilespmem:s14], [sflag:$0x7], $0x2000, $0x38;
	[tilespmem:$0x10000] =	vst v63  }
0x52: {  	s26 =	sadd.s32 @!p0 $0x0, s26;
	s0 =	simm.s32 @!p0 $0x4000  }
0x53: {  	[tilespmem:s0], [sflag:$0x9] =	stream.linear.gather @!p0 [hbm4b:s26+s25], $0x2000, $0x38;
	[tilespmem:$0x10000] =	vst v63  }
0x54: {  	_ =	swait.ge @!p0 [sflag:s28], $0x2000  }
0x55: {  	[sflag:s28] =	ssyncset.done @!p0 $0x0  }
0x56: {  	s25 =	simm.s32 @!p0 $0x7;
	[sflag:s28] =	ssyncadd.s32 @!p0 $0xFFFFE000  }
0x57: {  	_ =	swait.ge @!p0 [sflag:s25], $0x2000  }
0x58: {  	[sflag:s25] =	ssyncset.done @!p0 $0x0  }
0x59: {  	s26 =	simm.s32 @!p0 $0xC000;
	[sflag:s25] =	ssyncadd.s32 @!p0 $0xFFFFE000  }
0x5a: {  	[tilespmem:s26], [sflag:$0x3] =	stream.indirect.gather @!p0 [hbm4b:s1+s29], $0x1, s0, s29, $0xb8;
	[tilespmem:$0x10000] =	vst v63  }
0x5b: {  	s28 =	simm.s32 $0x0;
	_ =	swait.ge [sflag:s19], $0x2000  }
0x5c: {  	s25 =	simm.s32 $0x1000;
	[sflag:s19] =	ssyncset.done $0x0;
	s29 =	rddreg [dreg:$0x7]  }
0x5d: {  	s26 =	simm.s32 $0x2000;
	s0 =	rddreg [dreg:$0x8];
	[sflag:s19] =	ssyncadd.s32 $0xFFFFE000  }
.LBB2_2:
0x5e: {  	s29 =	sadd.s32 s28, s29;
	s28 =	smov.u32 s25  }
0x5f: {  	[hbm4b:s29+s3] =	stream.linear.scatter [tilespmem:s16], [sflag:$0x8], $0x2000, $0x38;
	[tilespmem:$0x10000] =	vst v63  }
0x60: {  	s0 =	sadd.s32 s28, s0  }
0x61: {  	[tilespmem:s15], [sflag:$0x9] =	stream.linear.gather [hbm4b:s0+s3], $0x2000, $0x38;
	[tilespmem:$0x10000] =	vst v63  }
0x62: {  	_ =	swait.ge [sflag:s9], $0x2000  }
0x63: {  	p1 =	seq.s32 s28, $0x0;
	[sflag:s9] =	ssyncset.done $0x0  }
0x64: {  	s0 =	simm.s32 @!p1 $0x8;
	[sflag:s9] =	ssyncadd.s32 $0xFFFFE000  }
0x65: {  	_ =	swait.ge @!p1 [sflag:s0], $0x2000  }
0x66: {  	[sflag:s0] =	ssyncset.done @!p1 $0x0  }
0x67: {  	[sflag:s0] =	ssyncadd.s32 @!p1 $0xFFFFE000  }
0x68: {  	[tilespmem:s16], [sflag:$0x4] =	stream.indirect.gather [hbm4b:s1+s10], $0x1, s15, s10, $0xb8;
	[tilespmem:$0x10000] =	vst v63  }
0x69: {  	_ =	swait.ge [sflag:s17], $0x2000  }
0x6a: {  	p1 =	seq.s32 s28, $0x3000;
	[sflag:s17] =	ssyncset.done $0x0  }
0x6b: {  	s29 =	sadd.s32 s28, s4;
	s0 =	simm.s32 @p1 $0x2;
	[sflag:s17] =	ssyncadd.s32 $0xFFFFE000  }
0x6c: {  	[hbm4b:s29+s3] =	stream.linear.scatter [tilespmem:s11], [sflag:$0x5], $0x2000, $0x38;
	[tilespmem:$0x10000] =	vst v63  }
0x6d: {  	s30 =	sadd.s32 @!p1 s28, s4;
	s12 =	simm.s32 @p1 $0x0;
	_ =	swait.ge @p1 [sflag:s0], $0x2000  }
0x6e: {  	s2 =	sadd.s32 @!p1 $0x400, s30;
	[sflag:s0] =	ssyncset.done @p1 $0x0;
	s30 =	rddreg [dreg:$0x3]  }
0x6f: {  	s6 =	simm.s32 @p1 $0xA000;
	[sflag:s0] =	ssyncadd.s32 @p1 $0xFFFFE000;
	s0 =	rddreg [dreg:$0x4]  }
0x70: {  	[hbm4b:s30+s12] =	stream.linear.scatter @p1 [tilespmem:s6], [sflag:$0x6], $0x2000, $0x38;
	[tilespmem:$0x10000] =	vst v63  }
0x71: {  	s31 =	simm.s32 @!p1 $0x0;
	s0 =	sadd.s32 @!p1 s28, s0;
	s30 =	simm.s32 @!p1 $0x9  }
0x72: {  	[tilespmem:s31], [sflag:$0x9] =	stream.linear.gather @!p1 [hbm4b:s0+s31], $0x2000, $0x38;
	[tilespmem:$0x10000] =	vst v63  }
0x73: {  	_ =	swait.ge @!p1 [sflag:s30], $0x2000  }
0x74: {  	[sflag:s30] =	ssyncset.done @!p1 $0x0  }
0x75: {  	s6 =	simm.s32 @!p1 $0x5;
	[sflag:s30] =	ssyncadd.s32 @!p1 $0xFFFFE000  }
0x76: {  	_ =	swait.ge @!p1 [sflag:s6], $0x2000  }
0x77: {  	s12 =	simm.s32 @!p1 $0x8000;
	[sflag:s6] =	ssyncset.done @!p1 $0x0  }
0x78: {  	s0 =	simm.s32 @!p1 $0x2000;
	[sflag:s6] =	ssyncadd.s32 @!p1 $0xFFFFE000;
	s6 =	simm.s32 @!p1 $0x2  }
0x79: {  	[tilespmem:s12], [sflag:$0x1] =	stream.indirect.gather @!p1 [hbm4b:s1+s0], $0x1, s31, s0, $0xb8;
	[tilespmem:$0x10000] =	vst v63  }
0x7a: {  	_ =	swait.ge @!p1 [sflag:s6], $0x2000  }
0x7b: {  	[sflag:s6] =	ssyncset.done @!p1 $0x0  }
0x7c: {  	s12 =	simm.s32 @!p1 $0xA000;
	s7 =	rddreg [dreg:$0x5];
	[sflag:s6] =	ssyncadd.s32 @!p1 $0xFFFFE000  }
0x7d: {  	[hbm4b:s2+s31] =	stream.linear.scatter @!p1 [tilespmem:s12], [sflag:$0x6], $0x2000, $0x38;
	[tilespmem:$0x10000] =	vst v63  }
0x7e: {  	s2 =	sadd.s32 @!p1 s28, s7  }
0x7f: {  	[tilespmem:s0], [sflag:$0x9] =	stream.linear.gather @!p1 [hbm4b:s2+s31], $0x2000, $0x38;
	[tilespmem:$0x10000] =	vst v63  }
0x80: {  	_ =	swait.ge @!p1 [sflag:s30], $0x2000  }
0x81: {  	[sflag:s30] =	ssyncset.done @!p1 $0x0  }
0x82: {  	s2 =	simm.s32 @!p1 $0x6;
	[sflag:s30] =	ssyncadd.s32 @!p1 $0xFFFFE000  }
0x83: {  	_ =	swait.ge @!p1 [sflag:s2], $0x2000  }
0x84: {  	[sflag:s2] =	ssyncset.done @!p1 $0x0  }
0x85: {  	[sflag:s2] =	ssyncadd.s32 @!p1 $0xFFFFE000  }
0x86: {  	[tilespmem:s12], [sflag:$0x2] =	stream.indirect.gather @!p1 [hbm4b:s1+s0], $0x1, s0, s0, $0xb8;
	[tilespmem:$0x10000] =	vst v63  }
0x87: {  	_ =	swait.ge [sflag:s18], $0x2000  }
0x88: {  	[sflag:s18] =	ssyncset.done $0x0  }
0x89: {  	s12 =	sadd.s32 $0x800, s29;
	s6 =	rddreg [dreg:$0x6];
	[sflag:s18] =	ssyncadd.s32 $0xFFFFE000  }
0x8a: {  	[hbm4b:s12+s3] =	stream.linear.scatter [tilespmem:s14], [sflag:$0x7], $0x2000, $0x38;
	[tilespmem:$0x10000] =	vst v63  }
0x8b: {  	s7 =	simm.s32 @!p1 $0x4000;
	s2 =	sadd.s32 @!p1 s28, s6  }
0x8c: {  	[tilespmem:s7], [sflag:$0x9] =	stream.linear.gather @!p1 [hbm4b:s2+s31], $0x2000, $0x38;
	[tilespmem:$0x10000] =	vst v63  }
0x8d: {  	_ =	swait.ge @!p1 [sflag:s30], $0x2000  }
0x8e: {  	[sflag:s30] =	ssyncset.done @!p1 $0x0  }
0x8f: {  	s2 =	simm.s32 @!p1 $0x7;
	[sflag:s30] =	ssyncadd.s32 @!p1 $0xFFFFE000  }
0x90: {  	s25 =	smov.u32 s26;
	s26 =	sadd.s32 $0x1000, s26;
	_ =	swait.ge @!p1 [sflag:s2], $0x2000  }
0x91: {  	p0 =	sne.s32 s26, $0x4000;
	[sflag:s2] =	ssyncset.done @!p1 $0x0  }
.Ltmp0:
0x92: {  	s6 =	simm.s32 @!p1 $0xC000;
	[sflag:s2] =	ssyncadd.s32 @!p1 $0xFFFFE000;
	(pc) =	sbr.rel @p0 .LBB2_2-.Ltmp0, $4  }
0x93: {  	[tilespmem:s6], [sflag:$0x3] =	stream.indirect.gather @!p1 [hbm4b:s1+s0], $0x1, s7, s0, $0xb8;
	[tilespmem:$0x10000] =	vst v63  }
0x94: {  	_ =	swait.ge [sflag:s19], $0x2000  }
0x95: {  	[sflag:s19] =	ssyncset.done $0x0;
	s29 =	rddreg [dreg:$0x7]  }
0x96: {  	s0 =	rddreg [dreg:$0x8];
	[sflag:s19] =	ssyncadd.s32 $0xFFFFE000  }
0x97: {  	s2 =	sadd.s32 s28, s29  }
0x98: {  	[hbm4b:s2+s3] =	stream.linear.scatter [tilespmem:s16], [sflag:$0x8], $0x2000, $0x38;
	[tilespmem:$0x10000] =	vst v63  }
0x99: {  	s0 =	sadd.s32 s25, s0  }
0x9a: {  	[tilespmem:s15], [sflag:$0x9] =	stream.linear.gather [hbm4b:s0+s3], $0x2000, $0x38;
	[tilespmem:$0x10000] =	vst v63  }
0x9b: {  	_ =	swait.ge [sflag:s9], $0x2000  }
0x9c: {  	p0 =	seq.s32 s25, $0x0;
	[sflag:s9] =	ssyncset.done $0x0  }
0x9d: {  	s0 =	simm.s32 @!p0 $0x8;
	[sflag:s9] =	ssyncadd.s32 $0xFFFFE000  }
0x9e: {  	_ =	swait.ge @!p0 [sflag:s0], $0x2000  }
0x9f: {  	[sflag:s0] =	ssyncset.done @!p0 $0x0  }
0xa0: {  	[sflag:s0] =	ssyncadd.s32 @!p0 $0xFFFFE000  }
0xa1: {  	[tilespmem:s16], [sflag:$0x4] =	stream.indirect.gather [hbm4b:s1+s10], $0x1, s15, s10, $0xb8;
	[tilespmem:$0x10000] =	vst v63  }
0xa2: {  	_ =	swait.ge [sflag:s17], $0x2000  }
0xa3: {  	p0 =	seq.s32 s25, $0x3000;
	[sflag:s17] =	ssyncset.done $0x0  }
0xa4: {  	s30 =	sadd.s32 s25, s4;
	s2 =	simm.s32 @p0 $0x2;
	[sflag:s17] =	ssyncadd.s32 $0xFFFFE000  }
0xa5: {  	[hbm4b:s30+s3] =	stream.linear.scatter [tilespmem:s11], [sflag:$0x5], $0x2000, $0x38;
	[tilespmem:$0x10000] =	vst v63  }
0xa6: {  	_ =	swait.ge @p0 [sflag:s2], $0x2000  }
0xa7: {  	s12 =	simm.s32 @p0 $0xA000;
	s6 =	rddreg [dreg:$0x3];
	[sflag:s2] =	ssyncset.done @p0 $0x0  }
0xa8: {  	s7 =	rddreg [dreg:$0x4];
	[sflag:s2] =	ssyncadd.s32 @p0 $0xFFFFE000;
	s2 =	simm.s32 @p0 $0x0  }
0xa9: {  	[hbm4b:s6+s2] =	stream.linear.scatter @p0 [tilespmem:s12], [sflag:$0x6], $0x2000, $0x38;
	[tilespmem:$0x10000] =	vst v63  }
0xaa: {  	s2 =	simm.s32 @!p0 $0x0;
	s6 =	sadd.s32 @!p0 s25, s7;
	s7 =	simm.s32 @!p0 $0x9  }
0xab: {  	[tilespmem:s2], [sflag:$0x9] =	stream.linear.gather @!p0 [hbm4b:s6+s2], $0x2000, $0x38;
	[tilespmem:$0x10000] =	vst v63  }
0xac: {  	_ =	swait.ge @!p0 [sflag:s7], $0x2000  }
0xad: {  	[sflag:s7] =	ssyncset.done @!p0 $0x0  }
0xae: {  	s6 =	simm.s32 @!p0 $0x5;
	[sflag:s7] =	ssyncadd.s32 @!p0 $0xFFFFE000  }
0xaf: {  	_ =	swait.ge @!p0 [sflag:s6], $0x2000  }
0xb0: {  	s26 =	simm.s32 @!p0 $0x8000;
	[sflag:s6] =	ssyncset.done @!p0 $0x0  }
0xb1: {  	s12 =	simm.s32 @!p0 $0x2000;
	[sflag:s6] =	ssyncadd.s32 @!p0 $0xFFFFE000;
	s6 =	simm.s32 @!p0 $0x2  }
0xb2: {  	[tilespmem:s26], [sflag:$0x1] =	stream.indirect.gather @!p0 [hbm4b:s1+s12], $0x1, s2, s12, $0xb8;
	[tilespmem:$0x10000] =	vst v63  }
0xb3: {  	s26 =	sadd.s32 @!p0 s25, s4;
	_ =	swait.ge @!p0 [sflag:s6], $0x2000  }
0xb4: {  	s26 =	sadd.s32 @!p0 $0x400, s26;
	[sflag:s6] =	ssyncset.done @!p0 $0x0  }
0xb5: {  	s28 =	rddreg [dreg:$0x5];
	[sflag:s6] =	ssyncadd.s32 @!p0 $0xFFFFE000;
	s6 =	simm.s32 @!p0 $0xA000  }
0xb6: {  	[hbm4b:s26+s2] =	stream.linear.scatter @!p0 [tilespmem:s6], [sflag:$0x6], $0x2000, $0x38;
	[tilespmem:$0x10000] =	vst v63  }
0xb7: {  	s26 =	sadd.s32 @!p0 s25, s28  }
0xb8: {  	[tilespmem:s12], [sflag:$0x9] =	stream.linear.gather @!p0 [hbm4b:s26+s2], $0x2000, $0x38;
	[tilespmem:$0x10000] =	vst v63  }
0xb9: {  	_ =	swait.ge @!p0 [sflag:s7], $0x2000  }
0xba: {  	[sflag:s7] =	ssyncset.done @!p0 $0x0  }
0xbb: {  	s26 =	simm.s32 @!p0 $0x6;
	[sflag:s7] =	ssyncadd.s32 @!p0 $0xFFFFE000  }
0xbc: {  	_ =	swait.ge @!p0 [sflag:s26], $0x2000  }
0xbd: {  	[sflag:s26] =	ssyncset.done @!p0 $0x0  }
0xbe: {  	[sflag:s26] =	ssyncadd.s32 @!p0 $0xFFFFE000  }
0xbf: {  	[tilespmem:s6], [sflag:$0x2] =	stream.indirect.gather @!p0 [hbm4b:s1+s12], $0x1, s12, s12, $0xb8;
	[tilespmem:$0x10000] =	vst v63  }
0xc0: {  	_ =	swait.ge [sflag:s18], $0x2000  }
0xc1: {  	[sflag:s18] =	ssyncset.done $0x0  }
0xc2: {  	s0 =	sadd.s32 $0x800, s30;
	s6 =	rddreg [dreg:$0x6];
	[sflag:s18] =	ssyncadd.s32 $0xFFFFE000  }
0xc3: {  	[hbm4b:s0+s3] =	stream.linear.scatter [tilespmem:s14], [sflag:$0x7], $0x2000, $0x38;
	[tilespmem:$0x10000] =	vst v63  }
0xc4: {  	s6 =	sadd.s32 @!p0 s25, s6;
	s0 =	simm.s32 @!p0 $0x4000  }
0xc5: {  	[tilespmem:s0], [sflag:$0x9] =	stream.linear.gather @!p0 [hbm4b:s6+s2], $0x2000, $0x38;
	[tilespmem:$0x10000] =	vst v63  }
0xc6: {  	_ =	swait.ge @!p0 [sflag:s7], $0x2000  }
0xc7: {  	[sflag:s7] =	ssyncset.done @!p0 $0x0  }
0xc8: {  	s2 =	simm.s32 @!p0 $0x7;
	[sflag:s7] =	ssyncadd.s32 @!p0 $0xFFFFE000  }
0xc9: {  	_ =	swait.ge @!p0 [sflag:s2], $0x2000  }
0xca: {  	[sflag:s2] =	ssyncset.done @!p0 $0x0  }
0xcb: {  	[sflag:s2] =	ssyncadd.s32 @!p0 $0xFFFFE000;
	s2 =	simm.s32 @!p0 $0xC000  }
0xcc: {  	[tilespmem:s2], [sflag:$0x3] =	stream.indirect.gather @!p0 [hbm4b:s1+s12], $0x1, s0, s12, $0xb8;
	[tilespmem:$0x10000] =	vst v63  }
0xcd: {  	_ =	swait.ge [sflag:s19], $0x2000  }
0xce: {  	s31 =	rddreg [dreg:$0x7];
	[sflag:s19] =	ssyncset.done $0x0  }
0xcf: {  	s0 =	sadd.s32 s25, s31;
	[sflag:s19] =	ssyncadd.s32 $0xFFFFE000  }
0xd0: {  	[hbm4b:s0+s3] =	stream.linear.scatter [tilespmem:s16], [sflag:$0x8], $0x2000, $0x38;
	[tilespmem:$0x10000] =	vst v63  }
0xd1: {  	_ =	swait.ge [sflag:s20], $0x2000  }
0xd2: {  	[sflag:s20] =	ssyncset.done $0x0  }
0xd3: {  	[sflag:s20] =	ssyncadd.s32 $0xFFFFE000  }
0xd4: {  	_ =	swait.ge [sflag:s21], $0x2000  }
0xd5: {  	[sflag:s21] =	ssyncset.done $0x0  }
0xd6: {  	s24 =	sadd.s32 $0x1, s24;
	[sflag:s21] =	ssyncadd.s32 $0xFFFFE000  }
0xd7: {  	p0 =	sne.s32 s24, s8;
	_ =	swait.ge [sflag:s22], $0x2000  }
.Ltmp1:
0xd8: {  	[sflag:s22] =	ssyncset.done $0x0;
	(pc) =	sbr.rel @p0 .LBB2_1-.Ltmp1, $4  }
0xd9: {  	[sflag:s22] =	ssyncadd.s32 $0xFFFFE000  }
0xda: {  	_ =	swait.ge [sflag:s23], $0x2000  }
0xdb: {  	[sflag:s23] =	ssyncset.done $0x0  }
0xdc: {  	[sflag:s23] =	ssyncadd.s32 $0xFFFFE000  }
0xdd: {  	_ =	sfence.sel $0x180000  }
0xde: {  	[bflag:$0x0] =	sbarrier.arrive $0xFFFF  }
0xdf: {  	_ =	strace $0x90000047  }
0xe0: {  	s0 =	stileid.u32;
	[bflag:$0x2] =	sbarrier.arrive $0xFFFF  }
0xe1: {  	p0 =	sne.s32 s0, $0x0;
	s0 =	rddreg [dreg:$0x2]  }
0xe2: {  	s0 =	sadd.s32 @!p0 $0x100000, s0  }
0xe3: {  	[sflag:s0] =	ssyncadd.tile.s32 @!p0 $0x1;
	_ =	shalt  }
.Lfunc_end2:
_tile_overlayer_lowered:
.L_overlay_start_2:
0xe4: {  	(tag) =	ssettag $0x2  }
0xe5: {  	s0 =	rddreg [dreg:$0x0];
	s2 =	stileid.u32  }
0xe6: {  	s1 =	rddreg [dreg:$0x1];
	p0 =	sne.s32 s2, $0x0  }
0xe7: {  	s3 =	rddreg [dreg:$0x2];
	[bflag:$0x3] =	sbarrier.arrive $0xFFFF;
	s2 =	simm.s32 @!p0 $0x1C09  }
0xe8: {  	[timem:s3], [sflag:s2] =	dma.local @!p0 [hbm:s0], s1  }
0xe9: {  	s0 =	simm.s32 @!p0 $0x9  }
0xea: {  	_ =	swait.ge @!p0 [sflag:s0], s1  }
0xeb: {  	s1 =	ssub.s32 @!p0 $0x0, s1;
	[sflag:s0] =	ssyncset.done @!p0 $0x0  }
0xec: {  	[sflag:s0] =	ssyncadd.s32 @!p0 s1  }
0xed: {  	[bflag:$0x3] =	sbarrier.arrive $0xFFFF  }
0xee: {  	_ =	shalt  }

</sc_bundles>
